<compile_context>
chip_gen: v7x
topology: tpu7x:2x2x1
jax: 0.10.2.dev20260603
libtpu: 0.0.44.dev20260713+nightly
codegen_flags: <defaults>
</compile_context>

<pallas_src>
import functools

import jax
import jax.numpy as jnp
from jax import lax
from jax.experimental import pallas as pl
from jax.experimental.pallas import tpu as pltpu
from jax.experimental.pallas import tpu_sc as plsc

_VOCAB = 1000
_EMBED = 32
_BATCH = 16384
_HIST = 20
_NUM_CORES = 2
_NUM_SUBCORES = 16
_NUM_WORKERS = _NUM_CORES * _NUM_SUBCORES
_BPW = _BATCH // _NUM_WORKERS
_LANES = 16


def _make_kernel():
    mesh = plsc.VectorSubcoreMesh(core_axis_name="c", subcore_axis_name="s")

    @functools.partial(
        pl.kernel,
        mesh=mesh,
        out_type=jax.ShapeDtypeStruct((_EMBED, _BATCH), jnp.float32),
        scratch_types=[
            pltpu.VMEM((_EMBED, _VOCAB), jnp.float32),
            pltpu.VMEM((1, _BPW), jnp.int32),
            pltpu.VMEM((_EMBED, _BPW), jnp.float32),
            pltpu.SemaphoreType.DMA,
            pltpu.SemaphoreType.DMA,
            pltpu.SemaphoreType.DMA,
        ],
        compiler_params=pltpu.CompilerParams(
            use_tc_tiling_on_sc=True, needs_layout_passes=False
        ),
    )
    def gather_kernel(
        ids_t_hbm, tab_t_hbm, out_t_hbm, tab_v, idx_v, rows_v, sem_t, sem_i, sem_o
    ):
        wid = lax.axis_index("s") * _NUM_CORES + lax.axis_index("c")
        base = wid * _BPW
        ctab = pltpu.async_copy(tab_t_hbm, tab_v, sem_t)
        cids = pltpu.async_copy(
            ids_t_hbm.at[pl.ds(0, 1), pl.ds(base, _BPW)], idx_v, sem_i
        )
        cids.wait()
        ctab.wait()

        lanes = lax.iota(jnp.int32, _LANES)
        zeros = jnp.zeros((_LANES,), jnp.int32)
        half = _BPW // 2

        outs = []
        for h in range(2):
            def group(g, carry):
                for u in range(2):
                    j = h * half + (g * 2 + u) * _LANES
                    idx16 = plsc.load_gather(idx_v, [zeros, lanes + j])
                    for c in range(_EMBED):
                        vals = plsc.load_gather(
                            tab_v, [jnp.full((_LANES,), c, jnp.int32), idx16]
                        )
                        rows_v[c, pl.ds(j, _LANES)] = vals
                return carry

            lax.fori_loop(0, half // (2 * _LANES), group, 0)
            outs.append(
                pltpu.async_copy(
                    rows_v.at[:, pl.ds(h * half, half)],
                    out_t_hbm.at[:, pl.ds(base + h * half, half)],
                    sem_o,
                )
            )
        for o in outs:
            o.wait()

    return gather_kernel


_gather = _make_kernel()


def kernel(input_ids, table):
    ids_t = input_ids.astype(jnp.int32).T
    tab_t = table.astype(jnp.float32).T
    out_t = _gather(ids_t, tab_t)
    return out_t.T

# --- scband reference (transcript-rebuilt; emitter-appended) ---
"""Pipeline reference for scband-mock-conditional-model-86088324481241 (READ-ONLY COPY).

The authoritative reference and input builder live on the scoring server;
editing this copy changes nothing except your own understanding.
"""

import jax, jax.numpy as jnp
import numpy as np

VOCAB = 1000
EMBED_DIM = 32
BATCH = 16384
HIST = 20

def setup_inputs(seed: int = 0) -> dict:
    key = jax.random.key(seed)
    k1, k2 = jax.random.split(key)
    input_ids = jax.random.randint(k1, (BATCH, HIST), 0, VOCAB, dtype=jnp.int64 if jax.config.jax_enable_x64 else jnp.int32)
    table = jax.random.normal(k2, (VOCAB, EMBED_DIM), dtype=jnp.float32)
    return {"input_ids": input_ids, "table": table}

def reference(input_ids, table):
    # MockConditionalModel.forward: self.embed(input_ids[:, 0])
    idx = input_ids[:, 0]
    return jnp.take(table, idx, axis=0)

if __name__ == "__main__":
    import jax
    _d = setup_inputs()
    print(jax.jit(kernel)(*tuple(_d.values())))

</pallas_src>

<mosaic_0001>
#map = affine_map<(d0, d1) -> (0, 0)>
module attributes {stable_mosaic.version = 14 : i64} {
  func.func @gather_kernel(%arg0: i32, %arg1: i32, %arg2: memref<20x16384xi32, #tpu.memory_space<hbm>>, %arg3: memref<32x1000xf32, #tpu.memory_space<hbm>>, %arg4: memref<32x16384xf32, #tpu.memory_space<hbm>>, %arg5: memref<32x1000xf32, #tpu.memory_space<vmem>>, %arg6: memref<1x512xi32, #tpu.memory_space<vmem>>, %arg7: memref<32x512xf32, #tpu.memory_space<vmem>>, %arg8: memref<!tpu.dma_semaphore, #tpu.memory_space<semaphore_mem>>, %arg9: memref<!tpu.dma_semaphore, #tpu.memory_space<semaphore_mem>>, %arg10: memref<!tpu.dma_semaphore, #tpu.memory_space<semaphore_mem>>) attributes {dimension_semantics = [#tpu.dimension_semantics<core_parallel>, #tpu.dimension_semantics<subcore_parallel>], iteration_bounds = array<i64: 2, 16>, scalar_prefetch = 0 : i64, scratch_operands = 6 : i64, tpu.core_type = #tpu.core_type<sc_vector_subcore>, window_params = [{transform_indices = #map}, {transform_indices = #map}, {transform_indices = #map}]} {
    %mul3A = arith.constant 2 : i32
    %mul3A_0 = arith.muli %arg1, %mul3A : i32
    %add3A = arith.addi %mul3A_0, %arg0 : i32
    %mul3A_1 = arith.constant 512 : i32
    %mul3A_2 = arith.muli %add3A, %mul3A_1 : i32
    tpu.enqueue_dma source(%arg3 : memref<32x1000xf32, #tpu.memory_space<hbm>>) target(%arg5 : memref<32x1000xf32, #tpu.memory_space<vmem>>) target_semaphore(%arg8 : memref<!tpu.dma_semaphore, #tpu.memory_space<semaphore_mem>>)
    %dma_start3A = arith.constant 0 : i32
    %dma_start3A_3 = tpu.memref_slice %arg2[%dma_start3A, %mul3A_2] : memref<20x16384xi32, #tpu.memory_space<hbm>> -> memref<1x512xi32, #tpu.memory_space<hbm>>
    %dma_start3A_4 = arith.constant 0 : i32
    %dma_start3A_5 = tpu.memref_slice %arg2[%dma_start3A_4, %mul3A_2] : memref<20x16384xi32, #tpu.memory_space<hbm>> -> memref<1x512xi32, #tpu.memory_space<hbm>>
    tpu.enqueue_dma source(%dma_start3A_5 : memref<1x512xi32, #tpu.memory_space<hbm>>) target(%arg6 : memref<1x512xi32, #tpu.memory_space<vmem>>) target_semaphore(%arg9 : memref<!tpu.dma_semaphore, #tpu.memory_space<semaphore_mem>>)
    %dma_wait3A = arith.constant 0 : i32
    %dma_wait3A_6 = tpu.memref_slice %arg2[%dma_wait3A, %mul3A_2] : memref<20x16384xi32, #tpu.memory_space<hbm>> -> memref<1x512xi32, #tpu.memory_space<hbm>>
    %dma_wait3A_7 = arith.constant 0 : i32
    %dma_wait3A_8 = tpu.memref_slice %arg2[%dma_wait3A_7, %mul3A_2] : memref<20x16384xi32, #tpu.memory_space<hbm>> -> memref<1x512xi32, #tpu.memory_space<hbm>>
    tpu.wait_dma2 semaphore(%arg9 : memref<!tpu.dma_semaphore, #tpu.memory_space<semaphore_mem>>) src(%dma_wait3A_8 : memref<1x512xi32, #tpu.memory_space<hbm>>) dst(%arg6 : memref<1x512xi32, #tpu.memory_space<vmem>>)
    tpu.wait_dma2 semaphore(%arg8 : memref<!tpu.dma_semaphore, #tpu.memory_space<semaphore_mem>>) src(%arg3 : memref<32x1000xf32, #tpu.memory_space<hbm>>) dst(%arg5 : memref<32x1000xf32, #tpu.memory_space<vmem>>)
    %iota3A = tpu.iota {dimensions = array<i32: 0>} : vector<16xi32>
    %broadcast_in_dim3A = arith.constant 0 : i32
    %broadcast_in_dim3A_9 = vector.broadcast %broadcast_in_dim3A : i32 to vector<16xi32>
    %scan3A = arith.constant 0 : i32
    %scan3A_10 = arith.constant 0 : i32
    %scan3A_11 = arith.constant 8 : i32
    %scan3A_12 = arith.addi %scan3A_10, %scan3A_11 : i32
    %scan3A_13 = arith.constant 1 : i32
    scf.for %scan3A_65 = %scan3A_10 to %scan3A_12 step %scan3A_13  : i32 {
      %mul3A_66 = arith.constant 2 : i32
      %mul3A_67 = arith.muli %scan3A_65, %mul3A_66 : i32
      %add3A_68 = arith.constant 0 : i32
      %add3A_69 = arith.addi %mul3A_67, %add3A_68 : i32
      %mul3A_70 = arith.constant 16 : i32
      %mul3A_71 = arith.muli %add3A_69, %mul3A_70 : i32
      %add3A_72 = arith.constant 0 : i32
      %add3A_73 = arith.addi %add3A_72, %mul3A_71 : i32
      %add3A_74 = vector.broadcast %add3A_73 : i32 to vector<16xi32>
      %add3A_75 = arith.addi %iota3A, %add3A_74 : vector<16xi32>
      %gather3A = tpu.vector_load_idx %arg6[%broadcast_in_dim3A_9, %add3A_75] : memref<1x512xi32, #tpu.memory_space<vmem>>[vector<16xi32>, vector<16xi32>], vector<16xi32>,
      %broadcast_in_dim3A_76 = arith.constant 0 : i32
      %broadcast_in_dim3A_77 = vector.broadcast %broadcast_in_dim3A_76 : i32 to vector<16xi32>
      %gather3A_78 = tpu.vector_load_idx %arg5[%broadcast_in_dim3A_77, %gather3A] : memref<32x1000xf32, #tpu.memory_space<vmem>>[vector<16xi32>, vector<16xi32>], vector<16xf32>,
      %swap3A = arith.constant 0 : i32
      %swap3A_79 = arith.index_cast %swap3A : i32 to index
      %swap3A_80 = arith.index_cast %add3A_73 : i32 to index
      %swap3A_81 = tpu.vector_load %arg7[%swap3A_79, %swap3A_80] {strides = array<i32>} : memref<32x512xf32, #tpu.memory_space<vmem>>, vector<16xf32>,
      tpu.vector_store %arg7[%swap3A_79, %swap3A_80], %gather3A_78 {strides = array<i32>} : memref<32x512xf32, #tpu.memory_space<vmem>>, vector<16xf32>,
      %broadcast_in_dim3A_82 = arith.constant 1 : i32
      %broadcast_in_dim3A_83 = vector.broadcast %broadcast_in_dim3A_82 : i32 to vector<16xi32>
      %gather3A_84 = tpu.vector_load_idx %arg5[%broadcast_in_dim3A_83, %gather3A] : memref<32x1000xf32, #tpu.memory_space<vmem>>[vector<16xi32>, vector<16xi32>], vector<16xf32>,
      %swap3A_85 = arith.constant 1 : i32
      %swap3A_86 = arith.index_cast %swap3A_85 : i32 to index
      %swap3A_87 = arith.index_cast %add3A_73 : i32 to index
      %swap3A_88 = tpu.vector_load %arg7[%swap3A_86, %swap3A_87] {strides = array<i32>} : memref<32x512xf32, #tpu.memory_space<vmem>>, vector<16xf32>,
      tpu.vector_store %arg7[%swap3A_86, %swap3A_87], %gather3A_84 {strides = array<i32>} : memref<32x512xf32, #tpu.memory_space<vmem>>, vector<16xf32>,
      %broadcast_in_dim3A_89 = arith.constant 2 : i32
      %broadcast_in_dim3A_90 = vector.broadcast %broadcast_in_dim3A_89 : i32 to vector<16xi32>
      %gather3A_91 = tpu.vector_load_idx %arg5[%broadcast_in_dim3A_90, %gather3A] : memref<32x1000xf32, #tpu.memory_space<vmem>>[vector<16xi32>, vector<16xi32>], vector<16xf32>,
      %swap3A_92 = arith.constant 2 : i32
      %swap3A_93 = arith.index_cast %swap3A_92 : i32 to index
      %swap3A_94 = arith.index_cast %add3A_73 : i32 to index
      %swap3A_95 = tpu.vector_load %arg7[%swap3A_93, %swap3A_94] {strides = array<i32>} : memref<32x512xf32, #tpu.memory_space<vmem>>, vector<16xf32>,
      tpu.vector_store %arg7[%swap3A_93, %swap3A_94], %gather3A_91 {strides = array<i32>} : memref<32x512xf32, #tpu.memory_space<vmem>>, vector<16xf32>,
      %broadcast_in_dim3A_96 = arith.constant 3 : i32
      %broadcast_in_dim3A_97 = vector.broadcast %broadcast_in_dim3A_96 : i32 to vector<16xi32>
      %gather3A_98 = tpu.vector_load_idx %arg5[%broadcast_in_dim3A_97, %gather3A] : memref<32x1000xf32, #tpu.memory_space<vmem>>[vector<16xi32>, vector<16xi32>], vector<16xf32>,
      %swap3A_99 = arith.constant 3 : i32
      %swap3A_100 = arith.index_cast %swap3A_99 : i32 to index
      %swap3A_101 = arith.index_cast %add3A_73 : i32 to index
      %swap3A_102 = tpu.vector_load %arg7[%swap3A_100, %swap3A_101] {strides = array<i32>} : memref<32x512xf32, #tpu.memory_space<vmem>>, vector<16xf32>,
      tpu.vector_store %arg7[%swap3A_100, %swap3A_101], %gather3A_98 {strides = array<i32>} : memref<32x512xf32, #tpu.memory_space<vmem>>, vector<16xf32>,
      %broadcast_in_dim3A_103 = arith.constant 4 : i32
      %broadcast_in_dim3A_104 = vector.broadcast %broadcast_in_dim3A_103 : i32 to vector<16xi32>
      %gather3A_105 = tpu.vector_load_idx %arg5[%broadcast_in_dim3A_104, %gather3A] : memref<32x1000xf32, #tpu.memory_space<vmem>>[vector<16xi32>, vector<16xi32>], vector<16xf32>,
      %swap3A_106 = arith.constant 4 : i32
      %swap3A_107 = arith.index_cast %swap3A_106 : i32 to index
      %swap3A_108 = arith.index_cast %add3A_73 : i32 to index
      %swap3A_109 = tpu.vector_load %arg7[%swap3A_107, %swap3A_108] {strides = array<i32>} : memref<32x512xf32, #tpu.memory_space<vmem>>, vector<16xf32>,
      tpu.vector_store %arg7[%swap3A_107, %swap3A_108], %gather3A_105 {strides = array<i32>} : memref<32x512xf32, #tpu.memory_space<vmem>>, vector<16xf32>,
      %broadcast_in_dim3A_110 = arith.constant 5 : i32
      %broadcast_in_dim3A_111 = vector.broadcast %broadcast_in_dim3A_110 : i32 to vector<16xi32>
      %gather3A_112 = tpu.vector_load_idx %arg5[%broadcast_in_dim3A_111, %gather3A] : memref<32x1000xf32, #tpu.memory_space<vmem>>[vector<16xi32>, vector<16xi32>], vector<16xf32>,
      %swap3A_113 = arith.constant 5 : i32
      %swap3A_114 = arith.index_cast %swap3A_113 : i32 to index
      %swap3A_115 = arith.index_cast %add3A_73 : i32 to index
      %swap3A_116 = tpu.vector_load %arg7[%swap3A_114, %swap3A_115] {strides = array<i32>} : memref<32x512xf32, #tpu.memory_space<vmem>>, vector<16xf32>,
      tpu.vector_store %arg7[%swap3A_114, %swap3A_115], %gather3A_112 {strides = array<i32>} : memref<32x512xf32, #tpu.memory_space<vmem>>, vector<16xf32>,
      %broadcast_in_dim3A_117 = arith.constant 6 : i32
      %broadcast_in_dim3A_118 = vector.broadcast %broadcast_in_dim3A_117 : i32 to vector<16xi32>
      %gather3A_119 = tpu.vector_load_idx %arg5[%broadcast_in_dim3A_118, %gather3A] : memref<32x1000xf32, #tpu.memory_space<vmem>>[vector<16xi32>, vector<16xi32>], vector<16xf32>,
      %swap3A_120 = arith.constant 6 : i32
      %swap3A_121 = arith.index_cast %swap3A_120 : i32 to index
      %swap3A_122 = arith.index_cast %add3A_73 : i32 to index
      %swap3A_123 = tpu.vector_load %arg7[%swap3A_121, %swap3A_122] {strides = array<i32>} : memref<32x512xf32, #tpu.memory_space<vmem>>, vector<16xf32>,
      tpu.vector_store %arg7[%swap3A_121, %swap3A_122], %gather3A_119 {strides = array<i32>} : memref<32x512xf32, #tpu.memory_space<vmem>>, vector<16xf32>,
      %broadcast_in_dim3A_124 = arith.constant 7 : i32
      %broadcast_in_dim3A_125 = vector.broadcast %broadcast_in_dim3A_124 : i32 to vector<16xi32>
      %gather3A_126 = tpu.vector_load_idx %arg5[%broadcast_in_dim3A_125, %gather3A] : memref<32x1000xf32, #tpu.memory_space<vmem>>[vector<16xi32>, vector<16xi32>], vector<16xf32>,
      %swap3A_127 = arith.constant 7 : i32
      %swap3A_128 = arith.index_cast %swap3A_127 : i32 to index
      %swap3A_129 = arith.index_cast %add3A_73 : i32 to index
      %swap3A_130 = tpu.vector_load %arg7[%swap3A_128, %swap3A_129] {strides = array<i32>} : memref<32x512xf32, #tpu.memory_space<vmem>>, vector<16xf32>,
      tpu.vector_store %arg7[%swap3A_128, %swap3A_129], %gather3A_126 {strides = array<i32>} : memref<32x512xf32, #tpu.memory_space<vmem>>, vector<16xf32>,
      %broadcast_in_dim3A_131 = arith.constant 8 : i32
      %broadcast_in_dim3A_132 = vector.broadcast %broadcast_in_dim3A_131 : i32 to vector<16xi32>
      %gather3A_133 = tpu.vector_load_idx %arg5[%broadcast_in_dim3A_132, %gather3A] : memref<32x1000xf32, #tpu.memory_space<vmem>>[vector<16xi32>, vector<16xi32>], vector<16xf32>,
      %swap3A_134 = arith.constant 8 : i32
      %swap3A_135 = arith.index_cast %swap3A_134 : i32 to index
      %swap3A_136 = arith.index_cast %add3A_73 : i32 to index
      %swap3A_137 = tpu.vector_load %arg7[%swap3A_135, %swap3A_136] {strides = array<i32>} : memref<32x512xf32, #tpu.memory_space<vmem>>, vector<16xf32>,
      tpu.vector_store %arg7[%swap3A_135, %swap3A_136], %gather3A_133 {strides = array<i32>} : memref<32x512xf32, #tpu.memory_space<vmem>>, vector<16xf32>,
      %broadcast_in_dim3A_138 = arith.constant 9 : i32
      %broadcast_in_dim3A_139 = vector.broadcast %broadcast_in_dim3A_138 : i32 to vector<16xi32>
      %gather3A_140 = tpu.vector_load_idx %arg5[%broadcast_in_dim3A_139, %gather3A] : memref<32x1000xf32, #tpu.memory_space<vmem>>[vector<16xi32>, vector<16xi32>], vector<16xf32>,
      %swap3A_141 = arith.constant 9 : i32
      %swap3A_142 = arith.index_cast %swap3A_141 : i32 to index
      %swap3A_143 = arith.index_cast %add3A_73 : i32 to index
      %swap3A_144 = tpu.vector_load %arg7[%swap3A_142, %swap3A_143] {strides = array<i32>} : memref<32x512xf32, #tpu.memory_space<vmem>>, vector<16xf32>,
      tpu.vector_store %arg7[%swap3A_142, %swap3A_143], %gather3A_140 {strides = array<i32>} : memref<32x512xf32, #tpu.memory_space<vmem>>, vector<16xf32>,
      %broadcast_in_dim3A_145 = arith.constant 10 : i32
      %broadcast_in_dim3A_146 = vector.broadcast %broadcast_in_dim3A_145 : i32 to vector<16xi32>
      %gather3A_147 = tpu.vector_load_idx %arg5[%broadcast_in_dim3A_146, %gather3A] : memref<32x1000xf32, #tpu.memory_space<vmem>>[vector<16xi32>, vector<16xi32>], vector<16xf32>,
      %swap3A_148 = arith.constant 10 : i32
      %swap3A_149 = arith.index_cast %swap3A_148 : i32 to index
      %swap3A_150 = arith.index_cast %add3A_73 : i32 to index
      %swap3A_151 = tpu.vector_load %arg7[%swap3A_149, %swap3A_150] {strides = array<i32>} : memref<32x512xf32, #tpu.memory_space<vmem>>, vector<16xf32>,
      tpu.vector_store %arg7[%swap3A_149, %swap3A_150], %gather3A_147 {strides = array<i32>} : memref<32x512xf32, #tpu.memory_space<vmem>>, vector<16xf32>,
      %broadcast_in_dim3A_152 = arith.constant 11 : i32
      %broadcast_in_dim3A_153 = vector.broadcast %broadcast_in_dim3A_152 : i32 to vector<16xi32>
      %gather3A_154 = tpu.vector_load_idx %arg5[%broadcast_in_dim3A_153, %gather3A] : memref<32x1000xf32, #tpu.memory_space<vmem>>[vector<16xi32>, vector<16xi32>], vector<16xf32>,
      %swap3A_155 = arith.constant 11 : i32
      %swap3A_156 = arith.index_cast %swap3A_155 : i32 to index
      %swap3A_157 = arith.index_cast %add3A_73 : i32 to index
      %swap3A_158 = tpu.vector_load %arg7[%swap3A_156, %swap3A_157] {strides = array<i32>} : memref<32x512xf32, #tpu.memory_space<vmem>>, vector<16xf32>,
      tpu.vector_store %arg7[%swap3A_156, %swap3A_157], %gather3A_154 {strides = array<i32>} : memref<32x512xf32, #tpu.memory_space<vmem>>, vector<16xf32>,
      %broadcast_in_dim3A_159 = arith.constant 12 : i32
      %broadcast_in_dim3A_160 = vector.broadcast %broadcast_in_dim3A_159 : i32 to vector<16xi32>
      %gather3A_161 = tpu.vector_load_idx %arg5[%broadcast_in_dim3A_160, %gather3A] : memref<32x1000xf32, #tpu.memory_space<vmem>>[vector<16xi32>, vector<16xi32>], vector<16xf32>,
      %swap3A_162 = arith.constant 12 : i32
      %swap3A_163 = arith.index_cast %swap3A_162 : i32 to index
      %swap3A_164 = arith.index_cast %add3A_73 : i32 to index
      %swap3A_165 = tpu.vector_load %arg7[%swap3A_163, %swap3A_164] {strides = array<i32>} : memref<32x512xf32, #tpu.memory_space<vmem>>, vector<16xf32>,
      tpu.vector_store %arg7[%swap3A_163, %swap3A_164], %gather3A_161 {strides = array<i32>} : memref<32x512xf32, #tpu.memory_space<vmem>>, vector<16xf32>,
      %broadcast_in_dim3A_166 = arith.constant 13 : i32
      %broadcast_in_dim3A_167 = vector.broadcast %broadcast_in_dim3A_166 : i32 to vector<16xi32>
      %gather3A_168 = tpu.vector_load_idx %arg5[%broadcast_in_dim3A_167, %gather3A] : memref<32x1000xf32, #tpu.memory_space<vmem>>[vector<16xi32>, vector<16xi32>], vector<16xf32>,
      %swap3A_169 = arith.constant 13 : i32
      %swap3A_170 = arith.index_cast %swap3A_169 : i32 to index
      %swap3A_171 = arith.index_cast %add3A_73 : i32 to index
      %swap3A_172 = tpu.vector_load %arg7[%swap3A_170, %swap3A_171] {strides = array<i32>} : memref<32x512xf32, #tpu.memory_space<vmem>>, vector<16xf32>,
      tpu.vector_store %arg7[%swap3A_170, %swap3A_171], %gather3A_168 {strides = array<i32>} : memref<32x512xf32, #tpu.memory_space<vmem>>, vector<16xf32>,
      %broadcast_in_dim3A_173 = arith.constant 14 : i32
      %broadcast_in_dim3A_174 = vector.broadcast %broadcast_in_dim3A_173 : i32 to vector<16xi32>
      %gather3A_175 = tpu.vector_load_idx %arg5[%broadcast_in_dim3A_174, %gather3A] : memref<32x1000xf32, #tpu.memory_space<vmem>>[vector<16xi32>, vector<16xi32>], vector<16xf32>,
      %swap3A_176 = arith.constant 14 : i32
      %swap3A_177 = arith.index_cast %swap3A_176 : i32 to index
      %swap3A_178 = arith.index_cast %add3A_73 : i32 to index
      %swap3A_179 = tpu.vector_load %arg7[%swap3A_177, %swap3A_178] {strides = array<i32>} : memref<32x512xf32, #tpu.memory_space<vmem>>, vector<16xf32>,
      tpu.vector_store %arg7[%swap3A_177, %swap3A_178], %gather3A_175 {strides = array<i32>} : memref<32x512xf32, #tpu.memory_space<vmem>>, vector<16xf32>,
      %broadcast_in_dim3A_180 = arith.constant 15 : i32
      %broadcast_in_dim3A_181 = vector.broadcast %broadcast_in_dim3A_180 : i32 to vector<16xi32>
      %gather3A_182 = tpu.vector_load_idx %arg5[%broadcast_in_dim3A_181, %gather3A] : memref<32x1000xf32, #tpu.memory_space<vmem>>[vector<16xi32>, vector<16xi32>], vector<16xf32>,
      %swap3A_183 = arith.constant 15 : i32
      %swap3A_184 = arith.index_cast %swap3A_183 : i32 to index
      %swap3A_185 = arith.index_cast %add3A_73 : i32 to index
      %swap3A_186 = tpu.vector_load %arg7[%swap3A_184, %swap3A_185] {strides = array<i32>} : memref<32x512xf32, #tpu.memory_space<vmem>>, vector<16xf32>,
      tpu.vector_store %arg7[%swap3A_184, %swap3A_185], %gather3A_182 {strides = array<i32>} : memref<32x512xf32, #tpu.memory_space<vmem>>, vector<16xf32>,
      %broadcast_in_dim3A_187 = arith.constant 16 : i32
      %broadcast_in_dim3A_188 = vector.broadcast %broadcast_in_dim3A_187 : i32 to vector<16xi32>
      %gather3A_189 = tpu.vector_load_idx %arg5[%broadcast_in_dim3A_188, %gather3A] : memref<32x1000xf32, #tpu.memory_space<vmem>>[vector<16xi32>, vector<16xi32>], vector<16xf32>,
      %swap3A_190 = arith.constant 16 : i32
      %swap3A_191 = arith.index_cast %swap3A_190 : i32 to index
      %swap3A_192 = arith.index_cast %add3A_73 : i32 to index
      %swap3A_193 = tpu.vector_load %arg7[%swap3A_191, %swap3A_192] {strides = array<i32>} : memref<32x512xf32, #tpu.memory_space<vmem>>, vector<16xf32>,
      tpu.vector_store %arg7[%swap3A_191, %swap3A_192], %gather3A_189 {strides = array<i32>} : memref<32x512xf32, #tpu.memory_space<vmem>>, vector<16xf32>,
      %broadcast_in_dim3A_194 = arith.constant 17 : i32
      %broadcast_in_dim3A_195 = vector.broadcast %broadcast_in_dim3A_194 : i32 to vector<16xi32>
      %gather3A_196 = tpu.vector_load_idx %arg5[%broadcast_in_dim3A_195, %gather3A] : memref<32x1000xf32, #tpu.memory_space<vmem>>[vector<16xi32>, vector<16xi32>], vector<16xf32>,
      %swap3A_197 = arith.constant 17 : i32
      %swap3A_198 = arith.index_cast %swap3A_197 : i32 to index
      %swap3A_199 = arith.index_cast %add3A_73 : i32 to index
      %swap3A_200 = tpu.vector_load %arg7[%swap3A_198, %swap3A_199] {strides = array<i32>} : memref<32x512xf32, #tpu.memory_space<vmem>>, vector<16xf32>,
      tpu.vector_store %arg7[%swap3A_198, %swap3A_199], %gather3A_196 {strides = array<i32>} : memref<32x512xf32, #tpu.memory_space<vmem>>, vector<16xf32>,
      %broadcast_in_dim3A_201 = arith.constant 18 : i32
      %broadcast_in_dim3A_202 = vector.broadcast %broadcast_in_dim3A_201 : i32 to vector<16xi32>
      %gather3A_203 = tpu.vector_load_idx %arg5[%broadcast_in_dim3A_202, %gather3A] : memref<32x1000xf32, #tpu.memory_space<vmem>>[vector<16xi32>, vector<16xi32>], vector<16xf32>,
      %swap3A_204 = arith.constant 18 : i32
      %swap3A_205 = arith.index_cast %swap3A_204 : i32 to index
      %swap3A_206 = arith.index_cast %add3A_73 : i32 to index
      %swap3A_207 = tpu.vector_load %arg7[%swap3A_205, %swap3A_206] {strides = array<i32>} : memref<32x512xf32, #tpu.memory_space<vmem>>, vector<16xf32>,
      tpu.vector_store %arg7[%swap3A_205, %swap3A_206], %gather3A_203 {strides = array<i32>} : memref<32x512xf32, #tpu.memory_space<vmem>>, vector<16xf32>,
      %broadcast_in_dim3A_208 = arith.constant 19 : i32
      %broadcast_in_dim3A_209 = vector.broadcast %broadcast_in_dim3A_208 : i32 to vector<16xi32>
      %gather3A_210 = tpu.vector_load_idx %arg5[%broadcast_in_dim3A_209, %gather3A] : memref<32x1000xf32, #tpu.memory_space<vmem>>[vector<16xi32>, vector<16xi32>], vector<16xf32>,
      %swap3A_211 = arith.constant 19 : i32
      %swap3A_212 = arith.index_cast %swap3A_211 : i32 to index
      %swap3A_213 = arith.index_cast %add3A_73 : i32 to index
      %swap3A_214 = tpu.vector_load %arg7[%swap3A_212, %swap3A_213] {strides = array<i32>} : memref<32x512xf32, #tpu.memory_space<vmem>>, vector<16xf32>,
      tpu.vector_store %arg7[%swap3A_212, %swap3A_213], %gather3A_210 {strides = array<i32>} : memref<32x512xf32, #tpu.memory_space<vmem>>, vector<16xf32>,
      %broadcast_in_dim3A_215 = arith.constant 20 : i32
      %broadcast_in_dim3A_216 = vector.broadcast %broadcast_in_dim3A_215 : i32 to vector<16xi32>
      %gather3A_217 = tpu.vector_load_idx %arg5[%broadcast_in_dim3A_216, %gather3A] : memref<32x1000xf32, #tpu.memory_space<vmem>>[vector<16xi32>, vector<16xi32>], vector<16xf32>,
      %swap3A_218 = arith.constant 20 : i32
      %swap3A_219 = arith.index_cast %swap3A_218 : i32 to index
      %swap3A_220 = arith.index_cast %add3A_73 : i32 to index
      %swap3A_221 = tpu.vector_load %arg7[%swap3A_219, %swap3A_220] {strides = array<i32>} : memref<32x512xf32, #tpu.memory_space<vmem>>, vector<16xf32>,
      tpu.vector_store %arg7[%swap3A_219, %swap3A_220], %gather3A_217 {strides = array<i32>} : memref<32x512xf32, #tpu.memory_space<vmem>>, vector<16xf32>,
      %broadcast_in_dim3A_222 = arith.constant 21 : i32
      %broadcast_in_dim3A_223 = vector.broadcast %broadcast_in_dim3A_222 : i32 to vector<16xi32>
      %gather3A_224 = tpu.vector_load_idx %arg5[%broadcast_in_dim3A_223, %gather3A] : memref<32x1000xf32, #tpu.memory_space<vmem>>[vector<16xi32>, vector<16xi32>], vector<16xf32>,
      %swap3A_225 = arith.constant 21 : i32
      %swap3A_226 = arith.index_cast %swap3A_225 : i32 to index
      %swap3A_227 = arith.index_cast %add3A_73 : i32 to index
      %swap3A_228 = tpu.vector_load %arg7[%swap3A_226, %swap3A_227] {strides = array<i32>} : memref<32x512xf32, #tpu.memory_space<vmem>>, vector<16xf32>,
      tpu.vector_store %arg7[%swap3A_226, %swap3A_227], %gather3A_224 {strides = array<i32>} : memref<32x512xf32, #tpu.memory_space<vmem>>, vector<16xf32>,
      %broadcast_in_dim3A_229 = arith.constant 22 : i32
      %broadcast_in_dim3A_230 = vector.broadcast %broadcast_in_dim3A_229 : i32 to vector<16xi32>
      %gather3A_231 = tpu.vector_load_idx %arg5[%broadcast_in_dim3A_230, %gather3A] : memref<32x1000xf32, #tpu.memory_space<vmem>>[vector<16xi32>, vector<16xi32>], vector<16xf32>,
      %swap3A_232 = arith.constant 22 : i32
      %swap3A_233 = arith.index_cast %swap3A_232 : i32 to index
      %swap3A_234 = arith.index_cast %add3A_73 : i32 to index
      %swap3A_235 = tpu.vector_load %arg7[%swap3A_233, %swap3A_234] {strides = array<i32>} : memref<32x512xf32, #tpu.memory_space<vmem>>, vector<16xf32>,
      tpu.vector_store %arg7[%swap3A_233, %swap3A_234], %gather3A_231 {strides = array<i32>} : memref<32x512xf32, #tpu.memory_space<vmem>>, vector<16xf32>,
      %broadcast_in_dim3A_236 = arith.constant 23 : i32
      %broadcast_in_dim3A_237 = vector.broadcast %broadcast_in_dim3A_236 : i32 to vector<16xi32>
      %gather3A_238 = tpu.vector_load_idx %arg5[%broadcast_in_dim3A_237, %gather3A] : memref<32x1000xf32, #tpu.memory_space<vmem>>[vector<16xi32>, vector<16xi32>], vector<16xf32>,
      %swap3A_239 = arith.constant 23 : i32
      %swap3A_240 = arith.index_cast %swap3A_239 : i32 to index
      %swap3A_241 = arith.index_cast %add3A_73 : i32 to index
      %swap3A_242 = tpu.vector_load %arg7[%swap3A_240, %swap3A_241] {strides = array<i32>} : memref<32x512xf32, #tpu.memory_space<vmem>>, vector<16xf32>,
      tpu.vector_store %arg7[%swap3A_240, %swap3A_241], %gather3A_238 {strides = array<i32>} : memref<32x512xf32, #tpu.memory_space<vmem>>, vector<16xf32>,
      %broadcast_in_dim3A_243 = arith.constant 24 : i32
      %broadcast_in_dim3A_244 = vector.broadcast %broadcast_in_dim3A_243 : i32 to vector<16xi32>
      %gather3A_245 = tpu.vector_load_idx %arg5[%broadcast_in_dim3A_244, %gather3A] : memref<32x1000xf32, #tpu.memory_space<vmem>>[vector<16xi32>, vector<16xi32>], vector<16xf32>,
      %swap3A_246 = arith.constant 24 : i32
      %swap3A_247 = arith.index_cast %swap3A_246 : i32 to index
      %swap3A_248 = arith.index_cast %add3A_73 : i32 to index
      %swap3A_249 = tpu.vector_load %arg7[%swap3A_247, %swap3A_248] {strides = array<i32>} : memref<32x512xf32, #tpu.memory_space<vmem>>, vector<16xf32>,
      tpu.vector_store %arg7[%swap3A_247, %swap3A_248], %gather3A_245 {strides = array<i32>} : memref<32x512xf32, #tpu.memory_space<vmem>>, vector<16xf32>,
      %broadcast_in_dim3A_250 = arith.constant 25 : i32
      %broadcast_in_dim3A_251 = vector.broadcast %broadcast_in_dim3A_250 : i32 to vector<16xi32>
      %gather3A_252 = tpu.vector_load_idx %arg5[%broadcast_in_dim3A_251, %gather3A] : memref<32x1000xf32, #tpu.memory_space<vmem>>[vector<16xi32>, vector<16xi32>], vector<16xf32>,
      %swap3A_253 = arith.constant 25 : i32
      %swap3A_254 = arith.index_cast %swap3A_253 : i32 to index
      %swap3A_255 = arith.index_cast %add3A_73 : i32 to index
      %swap3A_256 = tpu.vector_load %arg7[%swap3A_254, %swap3A_255] {strides = array<i32>} : memref<32x512xf32, #tpu.memory_space<vmem>>, vector<16xf32>,
      tpu.vector_store %arg7[%swap3A_254, %swap3A_255], %gather3A_252 {strides = array<i32>} : memref<32x512xf32, #tpu.memory_space<vmem>>, vector<16xf32>,
      %broadcast_in_dim3A_257 = arith.constant 26 : i32
      %broadcast_in_dim3A_258 = vector.broadcast %broadcast_in_dim3A_257 : i32 to vector<16xi32>
      %gather3A_259 = tpu.vector_load_idx %arg5[%broadcast_in_dim3A_258, %gather3A] : memref<32x1000xf32, #tpu.memory_space<vmem>>[vector<16xi32>, vector<16xi32>], vector<16xf32>,
      %swap3A_260 = arith.constant 26 : i32
      %swap3A_261 = arith.index_cast %swap3A_260 : i32 to index
      %swap3A_262 = arith.index_cast %add3A_73 : i32 to index
      %swap3A_263 = tpu.vector_load %arg7[%swap3A_261, %swap3A_262] {strides = array<i32>} : memref<32x512xf32, #tpu.memory_space<vmem>>, vector<16xf32>,
      tpu.vector_store %arg7[%swap3A_261, %swap3A_262], %gather3A_259 {strides = array<i32>} : memref<32x512xf32, #tpu.memory_space<vmem>>, vector<16xf32>,
      %broadcast_in_dim3A_264 = arith.constant 27 : i32
      %broadcast_in_dim3A_265 = vector.broadcast %broadcast_in_dim3A_264 : i32 to vector<16xi32>
      %gather3A_266 = tpu.vector_load_idx %arg5[%broadcast_in_dim3A_265, %gather3A] : memref<32x1000xf32, #tpu.memory_space<vmem>>[vector<16xi32>, vector<16xi32>], vector<16xf32>,
      %swap3A_267 = arith.constant 27 : i32
      %swap3A_268 = arith.index_cast %swap3A_267 : i32 to index
      %swap3A_269 = arith.index_cast %add3A_73 : i32 to index
      %swap3A_270 = tpu.vector_load %arg7[%swap3A_268, %swap3A_269] {strides = array<i32>} : memref<32x512xf32, #tpu.memory_space<vmem>>, vector<16xf32>,
      tpu.vector_store %arg7[%swap3A_268, %swap3A_269], %gather3A_266 {strides = array<i32>} : memref<32x512xf32, #tpu.memory_space<vmem>>, vector<16xf32>,
      %broadcast_in_dim3A_271 = arith.constant 28 : i32
      %broadcast_in_dim3A_272 = vector.broadcast %broadcast_in_dim3A_271 : i32 to vector<16xi32>
      %gather3A_273 = tpu.vector_load_idx %arg5[%broadcast_in_dim3A_272, %gather3A] : memref<32x1000xf32, #tpu.memory_space<vmem>>[vector<16xi32>, vector<16xi32>], vector<16xf32>,
      %swap3A_274 = arith.constant 28 : i32
      %swap3A_275 = arith.index_cast %swap3A_274 : i32 to index
      %swap3A_276 = arith.index_cast %add3A_73 : i32 to index
      %swap3A_277 = tpu.vector_load %arg7[%swap3A_275, %swap3A_276] {strides = array<i32>} : memref<32x512xf32, #tpu.memory_space<vmem>>, vector<16xf32>,
      tpu.vector_store %arg7[%swap3A_275, %swap3A_276], %gather3A_273 {strides = array<i32>} : memref<32x512xf32, #tpu.memory_space<vmem>>, vector<16xf32>,
      %broadcast_in_dim3A_278 = arith.constant 29 : i32
      %broadcast_in_dim3A_279 = vector.broadcast %broadcast_in_dim3A_278 : i32 to vector<16xi32>
      %gather3A_280 = tpu.vector_load_idx %arg5[%broadcast_in_dim3A_279, %gather3A] : memref<32x1000xf32, #tpu.memory_space<vmem>>[vector<16xi32>, vector<16xi32>], vector<16xf32>,
      %swap3A_281 = arith.constant 29 : i32
      %swap3A_282 = arith.index_cast %swap3A_281 : i32 to index
      %swap3A_283 = arith.index_cast %add3A_73 : i32 to index
      %swap3A_284 = tpu.vector_load %arg7[%swap3A_282, %swap3A_283] {strides = array<i32>} : memref<32x512xf32, #tpu.memory_space<vmem>>, vector<16xf32>,
      tpu.vector_store %arg7[%swap3A_282, %swap3A_283], %gather3A_280 {strides = array<i32>} : memref<32x512xf32, #tpu.memory_space<vmem>>, vector<16xf32>,
      %broadcast_in_dim3A_285 = arith.constant 30 : i32
      %broadcast_in_dim3A_286 = vector.broadcast %broadcast_in_dim3A_285 : i32 to vector<16xi32>
      %gather3A_287 = tpu.vector_load_idx %arg5[%broadcast_in_dim3A_286, %gather3A] : memref<32x1000xf32, #tpu.memory_space<vmem>>[vector<16xi32>, vector<16xi32>], vector<16xf32>,
      %swap3A_288 = arith.constant 30 : i32
      %swap3A_289 = arith.index_cast %swap3A_288 : i32 to index
      %swap3A_290 = arith.index_cast %add3A_73 : i32 to index
      %swap3A_291 = tpu.vector_load %arg7[%swap3A_289, %swap3A_290] {strides = array<i32>} : memref<32x512xf32, #tpu.memory_space<vmem>>, vector<16xf32>,
      tpu.vector_store %arg7[%swap3A_289, %swap3A_290], %gather3A_287 {strides = array<i32>} : memref<32x512xf32, #tpu.memory_space<vmem>>, vector<16xf32>,
      %broadcast_in_dim3A_292 = arith.constant 31 : i32
      %broadcast_in_dim3A_293 = vector.broadcast %broadcast_in_dim3A_292 : i32 to vector<16xi32>
      %gather3A_294 = tpu.vector_load_idx %arg5[%broadcast_in_dim3A_293, %gather3A] : memref<32x1000xf32, #tpu.memory_space<vmem>>[vector<16xi32>, vector<16xi32>], vector<16xf32>,
      %swap3A_295 = arith.constant 31 : i32
      %swap3A_296 = arith.index_cast %swap3A_295 : i32 to index
      %swap3A_297 = arith.index_cast %add3A_73 : i32 to index
      %swap3A_298 = tpu.vector_load %arg7[%swap3A_296, %swap3A_297] {strides = array<i32>} : memref<32x512xf32, #tpu.memory_space<vmem>>, vector<16xf32>,
      tpu.vector_store %arg7[%swap3A_296, %swap3A_297], %gather3A_294 {strides = array<i32>} : memref<32x512xf32, #tpu.memory_space<vmem>>, vector<16xf32>,
      %mul3A_299 = arith.constant 2 : i32
      %mul3A_300 = arith.muli %scan3A_65, %mul3A_299 : i32
      %add3A_301 = arith.constant 1 : i32
      %add3A_302 = arith.addi %mul3A_300, %add3A_301 : i32
      %mul3A_303 = arith.constant 16 : i32
      %mul3A_304 = arith.muli %add3A_302, %mul3A_303 : i32
      %add3A_305 = arith.constant 0 : i32
      %add3A_306 = arith.addi %add3A_305, %mul3A_304 : i32
      %add3A_307 = vector.broadcast %add3A_306 : i32 to vector<16xi32>
      %add3A_308 = arith.addi %iota3A, %add3A_307 : vector<16xi32>
      %gather3A_309 = tpu.vector_load_idx %arg6[%broadcast_in_dim3A_9, %add3A_308] : memref<1x512xi32, #tpu.memory_space<vmem>>[vector<16xi32>, vector<16xi32>], vector<16xi32>,
      %broadcast_in_dim3A_310 = arith.constant 0 : i32
      %broadcast_in_dim3A_311 = vector.broadcast %broadcast_in_dim3A_310 : i32 to vector<16xi32>
      %gather3A_312 = tpu.vector_load_idx %arg5[%broadcast_in_dim3A_311, %gather3A_309] : memref<32x1000xf32, #tpu.memory_space<vmem>>[vector<16xi32>, vector<16xi32>], vector<16xf32>,
      %swap3A_313 = arith.constant 0 : i32
      %swap3A_314 = arith.index_cast %swap3A_313 : i32 to index
      %swap3A_315 = arith.index_cast %add3A_306 : i32 to index
      %swap3A_316 = tpu.vector_load %arg7[%swap3A_314, %swap3A_315] {strides = array<i32>} : memref<32x512xf32, #tpu.memory_space<vmem>>, vector<16xf32>,
      tpu.vector_store %arg7[%swap3A_314, %swap3A_315], %gather3A_312 {strides = array<i32>} : memref<32x512xf32, #tpu.memory_space<vmem>>, vector<16xf32>,
      %broadcast_in_dim3A_317 = arith.constant 1 : i32
      %broadcast_in_dim3A_318 = vector.broadcast %broadcast_in_dim3A_317 : i32 to vector<16xi32>
      %gather3A_319 = tpu.vector_load_idx %arg5[%broadcast_in_dim3A_318, %gather3A_309] : memref<32x1000xf32, #tpu.memory_space<vmem>>[vector<16xi32>, vector<16xi32>], vector<16xf32>,
      %swap3A_320 = arith.constant 1 : i32
      %swap3A_321 = arith.index_cast %swap3A_320 : i32 to index
      %swap3A_322 = arith.index_cast %add3A_306 : i32 to index
      %swap3A_323 = tpu.vector_load %arg7[%swap3A_321, %swap3A_322] {strides = array<i32>} : memref<32x512xf32, #tpu.memory_space<vmem>>, vector<16xf32>,
      tpu.vector_store %arg7[%swap3A_321, %swap3A_322], %gather3A_319 {strides = array<i32>} : memref<32x512xf32, #tpu.memory_space<vmem>>, vector<16xf32>,
      %broadcast_in_dim3A_324 = arith.constant 2 : i32
      %broadcast_in_dim3A_325 = vector.broadcast %broadcast_in_dim3A_324 : i32 to vector<16xi32>
      %gather3A_326 = tpu.vector_load_idx %arg5[%broadcast_in_dim3A_325, %gather3A_309] : memref<32x1000xf32, #tpu.memory_space<vmem>>[vector<16xi32>, vector<16xi32>], vector<16xf32>,
      %swap3A_327 = arith.constant 2 : i32
      %swap3A_328 = arith.index_cast %swap3A_327 : i32 to index
      %swap3A_329 = arith.index_cast %add3A_306 : i32 to index
      %swap3A_330 = tpu.vector_load %arg7[%swap3A_328, %swap3A_329] {strides = array<i32>} : memref<32x512xf32, #tpu.memory_space<vmem>>, vector<16xf32>,
      tpu.vector_store %arg7[%swap3A_328, %swap3A_329], %gather3A_326 {strides = array<i32>} : memref<32x512xf32, #tpu.memory_space<vmem>>, vector<16xf32>,
      %broadcast_in_dim3A_331 = arith.constant 3 : i32
      %broadcast_in_dim3A_332 = vector.broadcast %broadcast_in_dim3A_331 : i32 to vector<16xi32>
      %gather3A_333 = tpu.vector_load_idx %arg5[%broadcast_in_dim3A_332, %gather3A_309] : memref<32x1000xf32, #tpu.memory_space<vmem>>[vector<16xi32>, vector<16xi32>], vector<16xf32>,
      %swap3A_334 = arith.constant 3 : i32
      %swap3A_335 = arith.index_cast %swap3A_334 : i32 to index
      %swap3A_336 = arith.index_cast %add3A_306 : i32 to index
      %swap3A_337 = tpu.vector_load %arg7[%swap3A_335, %swap3A_336] {strides = array<i32>} : memref<32x512xf32, #tpu.memory_space<vmem>>, vector<16xf32>,
      tpu.vector_store %arg7[%swap3A_335, %swap3A_336], %gather3A_333 {strides = array<i32>} : memref<32x512xf32, #tpu.memory_space<vmem>>, vector<16xf32>,
      %broadcast_in_dim3A_338 = arith.constant 4 : i32
      %broadcast_in_dim3A_339 = vector.broadcast %broadcast_in_dim3A_338 : i32 to vector<16xi32>
      %gather3A_340 = tpu.vector_load_idx %arg5[%broadcast_in_dim3A_339, %gather3A_309] : memref<32x1000xf32, #tpu.memory_space<vmem>>[vector<16xi32>, vector<16xi32>], vector<16xf32>,
      %swap3A_341 = arith.constant 4 : i32
      %swap3A_342 = arith.index_cast %swap3A_341 : i32 to index
      %swap3A_343 = arith.index_cast %add3A_306 : i32 to index
      %swap3A_344 = tpu.vector_load %arg7[%swap3A_342, %swap3A_343] {strides = array<i32>} : memref<32x512xf32, #tpu.memory_space<vmem>>, vector<16xf32>,
      tpu.vector_store %arg7[%swap3A_342, %swap3A_343], %gather3A_340 {strides = array<i32>} : memref<32x512xf32, #tpu.memory_space<vmem>>, vector<16xf32>,
      %broadcast_in_dim3A_345 = arith.constant 5 : i32
      %broadcast_in_dim3A_346 = vector.broadcast %broadcast_in_dim3A_345 : i32 to vector<16xi32>
      %gather3A_347 = tpu.vector_load_idx %arg5[%broadcast_in_dim3A_346, %gather3A_309] : memref<32x1000xf32, #tpu.memory_space<vmem>>[vector<16xi32>, vector<16xi32>], vector<16xf32>,
      %swap3A_348 = arith.constant 5 : i32
      %swap3A_349 = arith.index_cast %swap3A_348 : i32 to index
      %swap3A_350 = arith.index_cast %add3A_306 : i32 to index
      %swap3A_351 = tpu.vector_load %arg7[%swap3A_349, %swap3A_350] {strides = array<i32>} : memref<32x512xf32, #tpu.memory_space<vmem>>, vector<16xf32>,
      tpu.vector_store %arg7[%swap3A_349, %swap3A_350], %gather3A_347 {strides = array<i32>} : memref<32x512xf32, #tpu.memory_space<vmem>>, vector<16xf32>,
      %broadcast_in_dim3A_352 = arith.constant 6 : i32
      %broadcast_in_dim3A_353 = vector.broadcast %broadcast_in_dim3A_352 : i32 to vector<16xi32>
      %gather3A_354 = tpu.vector_load_idx %arg5[%broadcast_in_dim3A_353, %gather3A_309] : memref<32x1000xf32, #tpu.memory_space<vmem>>[vector<16xi32>, vector<16xi32>], vector<16xf32>,
      %swap3A_355 = arith.constant 6 : i32
      %swap3A_356 = arith.index_cast %swap3A_355 : i32 to index
      %swap3A_357 = arith.index_cast %add3A_306 : i32 to index
      %swap3A_358 = tpu.vector_load %arg7[%swap3A_356, %swap3A_357] {strides = array<i32>} : memref<32x512xf32, #tpu.memory_space<vmem>>, vector<16xf32>,
      tpu.vector_store %arg7[%swap3A_356, %swap3A_357], %gather3A_354 {strides = array<i32>} : memref<32x512xf32, #tpu.memory_space<vmem>>, vector<16xf32>,
      %broadcast_in_dim3A_359 = arith.constant 7 : i32
      %broadcast_in_dim3A_360 = vector.broadcast %broadcast_in_dim3A_359 : i32 to vector<16xi32>
      %gather3A_361 = tpu.vector_load_idx %arg5[%broadcast_in_dim3A_360, %gather3A_309] : memref<32x1000xf32, #tpu.memory_space<vmem>>[vector<16xi32>, vector<16xi32>], vector<16xf32>,
      %swap3A_362 = arith.constant 7 : i32
      %swap3A_363 = arith.index_cast %swap3A_362 : i32 to index
      %swap3A_364 = arith.index_cast %add3A_306 : i32 to index
      %swap3A_365 = tpu.vector_load %arg7[%swap3A_363, %swap3A_364] {strides = array<i32>} : memref<32x512xf32, #tpu.memory_space<vmem>>, vector<16xf32>,
      tpu.vector_store %arg7[%swap3A_363, %swap3A_364], %gather3A_361 {strides = array<i32>} : memref<32x512xf32, #tpu.memory_space<vmem>>, vector<16xf32>,
      %broadcast_in_dim3A_366 = arith.constant 8 : i32
      %broadcast_in_dim3A_367 = vector.broadcast %broadcast_in_dim3A_366 : i32 to vector<16xi32>
      %gather3A_368 = tpu.vector_load_idx %arg5[%broadcast_in_dim3A_367, %gather3A_309] : memref<32x1000xf32, #tpu.memory_space<vmem>>[vector<16xi32>, vector<16xi32>], vector<16xf32>,
      %swap3A_369 = arith.constant 8 : i32
      %swap3A_370 = arith.index_cast %swap3A_369 : i32 to index
      %swap3A_371 = arith.index_cast %add3A_306 : i32 to index
      %swap3A_372 = tpu.vector_load %arg7[%swap3A_370, %swap3A_371] {strides = array<i32>} : memref<32x512xf32, #tpu.memory_space<vmem>>, vector<16xf32>,
      tpu.vector_store %arg7[%swap3A_370, %swap3A_371], %gather3A_368 {strides = array<i32>} : memref<32x512xf32, #tpu.memory_space<vmem>>, vector<16xf32>,
      %broadcast_in_dim3A_373 = arith.constant 9 : i32
      %broadcast_in_dim3A_374 = vector.broadcast %broadcast_in_dim3A_373 : i32 to vector<16xi32>
      %gather3A_375 = tpu.vector_load_idx %arg5[%broadcast_in_dim3A_374, %gather3A_309] : memref<32x1000xf32, #tpu.memory_space<vmem>>[vector<16xi32>, vector<16xi32>], vector<16xf32>,
      %swap3A_376 = arith.constant 9 : i32
      %swap3A_377 = arith.index_cast %swap3A_376 : i32 to index
      %swap3A_378 = arith.index_cast %add3A_306 : i32 to index
      %swap3A_379 = tpu.vector_load %arg7[%swap3A_377, %swap3A_378] {strides = array<i32>} : memref<32x512xf32, #tpu.memory_space<vmem>>, vector<16xf32>,
      tpu.vector_store %arg7[%swap3A_377, %swap3A_378], %gather3A_375 {strides = array<i32>} : memref<32x512xf32, #tpu.memory_space<vmem>>, vector<16xf32>,
      %broadcast_in_dim3A_380 = arith.constant 10 : i32
      %broadcast_in_dim3A_381 = vector.broadcast %broadcast_in_dim3A_380 : i32 to vector<16xi32>
      %gather3A_382 = tpu.vector_load_idx %arg5[%broadcast_in_dim3A_381, %gather3A_309] : memref<32x1000xf32, #tpu.memory_space<vmem>>[vector<16xi32>, vector<16xi32>], vector<16xf32>,
      %swap3A_383 = arith.constant 10 : i32
      %swap3A_384 = arith.index_cast %swap3A_383 : i32 to index
      %swap3A_385 = arith.index_cast %add3A_306 : i32 to index
      %swap3A_386 = tpu.vector_load %arg7[%swap3A_384, %swap3A_385] {strides = array<i32>} : memref<32x512xf32, #tpu.memory_space<vmem>>, vector<16xf32>,
      tpu.vector_store %arg7[%swap3A_384, %swap3A_385], %gather3A_382 {strides = array<i32>} : memref<32x512xf32, #tpu.memory_space<vmem>>, vector<16xf32>,
      %broadcast_in_dim3A_387 = arith.constant 11 : i32
      %broadcast_in_dim3A_388 = vector.broadcast %broadcast_in_dim3A_387 : i32 to vector<16xi32>
      %gather3A_389 = tpu.vector_load_idx %arg5[%broadcast_in_dim3A_388, %gather3A_309] : memref<32x1000xf32, #tpu.memory_space<vmem>>[vector<16xi32>, vector<16xi32>], vector<16xf32>,
      %swap3A_390 = arith.constant 11 : i32
      %swap3A_391 = arith.index_cast %swap3A_390 : i32 to index
      %swap3A_392 = arith.index_cast %add3A_306 : i32 to index
      %swap3A_393 = tpu.vector_load %arg7[%swap3A_391, %swap3A_392] {strides = array<i32>} : memref<32x512xf32, #tpu.memory_space<vmem>>, vector<16xf32>,
      tpu.vector_store %arg7[%swap3A_391, %swap3A_392], %gather3A_389 {strides = array<i32>} : memref<32x512xf32, #tpu.memory_space<vmem>>, vector<16xf32>,
      %broadcast_in_dim3A_394 = arith.constant 12 : i32
      %broadcast_in_dim3A_395 = vector.broadcast %broadcast_in_dim3A_394 : i32 to vector<16xi32>
      %gather3A_396 = tpu.vector_load_idx %arg5[%broadcast_in_dim3A_395, %gather3A_309] : memref<32x1000xf32, #tpu.memory_space<vmem>>[vector<16xi32>, vector<16xi32>], vector<16xf32>,
      %swap3A_397 = arith.constant 12 : i32
      %swap3A_398 = arith.index_cast %swap3A_397 : i32 to index
      %swap3A_399 = arith.index_cast %add3A_306 : i32 to index
      %swap3A_400 = tpu.vector_load %arg7[%swap3A_398, %swap3A_399] {strides = array<i32>} : memref<32x512xf32, #tpu.memory_space<vmem>>, vector<16xf32>,
      tpu.vector_store %arg7[%swap3A_398, %swap3A_399], %gather3A_396 {strides = array<i32>} : memref<32x512xf32, #tpu.memory_space<vmem>>, vector<16xf32>,
      %broadcast_in_dim3A_401 = arith.constant 13 : i32
      %broadcast_in_dim3A_402 = vector.broadcast %broadcast_in_dim3A_401 : i32 to vector<16xi32>
      %gather3A_403 = tpu.vector_load_idx %arg5[%broadcast_in_dim3A_402, %gather3A_309] : memref<32x1000xf32, #tpu.memory_space<vmem>>[vector<16xi32>, vector<16xi32>], vector<16xf32>,
      %swap3A_404 = arith.constant 13 : i32
      %swap3A_405 = arith.index_cast %swap3A_404 : i32 to index
      %swap3A_406 = arith.index_cast %add3A_306 : i32 to index
      %swap3A_407 = tpu.vector_load %arg7[%swap3A_405, %swap3A_406] {strides = array<i32>} : memref<32x512xf32, #tpu.memory_space<vmem>>, vector<16xf32>,
      tpu.vector_store %arg7[%swap3A_405, %swap3A_406], %gather3A_403 {strides = array<i32>} : memref<32x512xf32, #tpu.memory_space<vmem>>, vector<16xf32>,
      %broadcast_in_dim3A_408 = arith.constant 14 : i32
      %broadcast_in_dim3A_409 = vector.broadcast %broadcast_in_dim3A_408 : i32 to vector<16xi32>
      %gather3A_410 = tpu.vector_load_idx %arg5[%broadcast_in_dim3A_409, %gather3A_309] : memref<32x1000xf32, #tpu.memory_space<vmem>>[vector<16xi32>, vector<16xi32>], vector<16xf32>,
      %swap3A_411 = arith.constant 14 : i32
      %swap3A_412 = arith.index_cast %swap3A_411 : i32 to index
      %swap3A_413 = arith.index_cast %add3A_306 : i32 to index
      %swap3A_414 = tpu.vector_load %arg7[%swap3A_412, %swap3A_413] {strides = array<i32>} : memref<32x512xf32, #tpu.memory_space<vmem>>, vector<16xf32>,
      tpu.vector_store %arg7[%swap3A_412, %swap3A_413], %gather3A_410 {strides = array<i32>} : memref<32x512xf32, #tpu.memory_space<vmem>>, vector<16xf32>,
      %broadcast_in_dim3A_415 = arith.constant 15 : i32
      %broadcast_in_dim3A_416 = vector.broadcast %broadcast_in_dim3A_415 : i32 to vector<16xi32>
      %gather3A_417 = tpu.vector_load_idx %arg5[%broadcast_in_dim3A_416, %gather3A_309] : memref<32x1000xf32, #tpu.memory_space<vmem>>[vector<16xi32>, vector<16xi32>], vector<16xf32>,
      %swap3A_418 = arith.constant 15 : i32
      %swap3A_419 = arith.index_cast %swap3A_418 : i32 to index
      %swap3A_420 = arith.index_cast %add3A_306 : i32 to index
      %swap3A_421 = tpu.vector_load %arg7[%swap3A_419, %swap3A_420] {strides = array<i32>} : memref<32x512xf32, #tpu.memory_space<vmem>>, vector<16xf32>,
      tpu.vector_store %arg7[%swap3A_419, %swap3A_420], %gather3A_417 {strides = array<i32>} : memref<32x512xf32, #tpu.memory_space<vmem>>, vector<16xf32>,
      %broadcast_in_dim3A_422 = arith.constant 16 : i32
      %broadcast_in_dim3A_423 = vector.broadcast %broadcast_in_dim3A_422 : i32 to vector<16xi32>
      %gather3A_424 = tpu.vector_load_idx %arg5[%broadcast_in_dim3A_423, %gather3A_309] : memref<32x1000xf32, #tpu.memory_space<vmem>>[vector<16xi32>, vector<16xi32>], vector<16xf32>,
      %swap3A_425 = arith.constant 16 : i32
      %swap3A_426 = arith.index_cast %swap3A_425 : i32 to index
      %swap3A_427 = arith.index_cast %add3A_306 : i32 to index
      %swap3A_428 = tpu.vector_load %arg7[%swap3A_426, %swap3A_427] {strides = array<i32>} : memref<32x512xf32, #tpu.memory_space<vmem>>, vector<16xf32>,
      tpu.vector_store %arg7[%swap3A_426, %swap3A_427], %gather3A_424 {strides = array<i32>} : memref<32x512xf32, #tpu.memory_space<vmem>>, vector<16xf32>,
      %broadcast_in_dim3A_429 = arith.constant 17 : i32
      %broadcast_in_dim3A_430 = vector.broadcast %broadcast_in_dim3A_429 : i32 to vector<16xi32>
      %gather3A_431 = tpu.vector_load_idx %arg5[%broadcast_in_dim3A_430, %gather3A_309] : memref<32x1000xf32, #tpu.memory_space<vmem>>[vector<16xi32>, vector<16xi32>], vector<16xf32>,
      %swap3A_432 = arith.constant 17 : i32
      %swap3A_433 = arith.index_cast %swap3A_432 : i32 to index
      %swap3A_434 = arith.index_cast %add3A_306 : i32 to index
      %swap3A_435 = tpu.vector_load %arg7[%swap3A_433, %swap3A_434] {strides = array<i32>} : memref<32x512xf32, #tpu.memory_space<vmem>>, vector<16xf32>,
      tpu.vector_store %arg7[%swap3A_433, %swap3A_434], %gather3A_431 {strides = array<i32>} : memref<32x512xf32, #tpu.memory_space<vmem>>, vector<16xf32>,
      %broadcast_in_dim3A_436 = arith.constant 18 : i32
      %broadcast_in_dim3A_437 = vector.broadcast %broadcast_in_dim3A_436 : i32 to vector<16xi32>
      %gather3A_438 = tpu.vector_load_idx %arg5[%broadcast_in_dim3A_437, %gather3A_309] : memref<32x1000xf32, #tpu.memory_space<vmem>>[vector<16xi32>, vector<16xi32>], vector<16xf32>,
      %swap3A_439 = arith.constant 18 : i32
      %swap3A_440 = arith.index_cast %swap3A_439 : i32 to index
      %swap3A_441 = arith.index_cast %add3A_306 : i32 to index
      %swap3A_442 = tpu.vector_load %arg7[%swap3A_440, %swap3A_441] {strides = array<i32>} : memref<32x512xf32, #tpu.memory_space<vmem>>, vector<16xf32>,
      tpu.vector_store %arg7[%swap3A_440, %swap3A_441], %gather3A_438 {strides = array<i32>} : memref<32x512xf32, #tpu.memory_space<vmem>>, vector<16xf32>,
      %broadcast_in_dim3A_443 = arith.constant 19 : i32
      %broadcast_in_dim3A_444 = vector.broadcast %broadcast_in_dim3A_443 : i32 to vector<16xi32>
      %gather3A_445 = tpu.vector_load_idx %arg5[%broadcast_in_dim3A_444, %gather3A_309] : memref<32x1000xf32, #tpu.memory_space<vmem>>[vector<16xi32>, vector<16xi32>], vector<16xf32>,
      %swap3A_446 = arith.constant 19 : i32
      %swap3A_447 = arith.index_cast %swap3A_446 : i32 to index
      %swap3A_448 = arith.index_cast %add3A_306 : i32 to index
      %swap3A_449 = tpu.vector_load %arg7[%swap3A_447, %swap3A_448] {strides = array<i32>} : memref<32x512xf32, #tpu.memory_space<vmem>>, vector<16xf32>,
      tpu.vector_store %arg7[%swap3A_447, %swap3A_448], %gather3A_445 {strides = array<i32>} : memref<32x512xf32, #tpu.memory_space<vmem>>, vector<16xf32>,
      %broadcast_in_dim3A_450 = arith.constant 20 : i32
      %broadcast_in_dim3A_451 = vector.broadcast %broadcast_in_dim3A_450 : i32 to vector<16xi32>
      %gather3A_452 = tpu.vector_load_idx %arg5[%broadcast_in_dim3A_451, %gather3A_309] : memref<32x1000xf32, #tpu.memory_space<vmem>>[vector<16xi32>, vector<16xi32>], vector<16xf32>,
      %swap3A_453 = arith.constant 20 : i32
      %swap3A_454 = arith.index_cast %swap3A_453 : i32 to index
      %swap3A_455 = arith.index_cast %add3A_306 : i32 to index
      %swap3A_456 = tpu.vector_load %arg7[%swap3A_454, %swap3A_455] {strides = array<i32>} : memref<32x512xf32, #tpu.memory_space<vmem>>, vector<16xf32>,
      tpu.vector_store %arg7[%swap3A_454, %swap3A_455], %gather3A_452 {strides = array<i32>} : memref<32x512xf32, #tpu.memory_space<vmem>>, vector<16xf32>,
      %broadcast_in_dim3A_457 = arith.constant 21 : i32
      %broadcast_in_dim3A_458 = vector.broadcast %broadcast_in_dim3A_457 : i32 to vector<16xi32>
      %gather3A_459 = tpu.vector_load_idx %arg5[%broadcast_in_dim3A_458, %gather3A_309] : memref<32x1000xf32, #tpu.memory_space<vmem>>[vector<16xi32>, vector<16xi32>], vector<16xf32>,
      %swap3A_460 = arith.constant 21 : i32
      %swap3A_461 = arith.index_cast %swap3A_460 : i32 to index
      %swap3A_462 = arith.index_cast %add3A_306 : i32 to index
      %swap3A_463 = tpu.vector_load %arg7[%swap3A_461, %swap3A_462] {strides = array<i32>} : memref<32x512xf32, #tpu.memory_space<vmem>>, vector<16xf32>,
      tpu.vector_store %arg7[%swap3A_461, %swap3A_462], %gather3A_459 {strides = array<i32>} : memref<32x512xf32, #tpu.memory_space<vmem>>, vector<16xf32>,
      %broadcast_in_dim3A_464 = arith.constant 22 : i32
      %broadcast_in_dim3A_465 = vector.broadcast %broadcast_in_dim3A_464 : i32 to vector<16xi32>
      %gather3A_466 = tpu.vector_load_idx %arg5[%broadcast_in_dim3A_465, %gather3A_309] : memref<32x1000xf32, #tpu.memory_space<vmem>>[vector<16xi32>, vector<16xi32>], vector<16xf32>,
      %swap3A_467 = arith.constant 22 : i32
      %swap3A_468 = arith.index_cast %swap3A_467 : i32 to index
      %swap3A_469 = arith.index_cast %add3A_306 : i32 to index
      %swap3A_470 = tpu.vector_load %arg7[%swap3A_468, %swap3A_469] {strides = array<i32>} : memref<32x512xf32, #tpu.memory_space<vmem>>, vector<16xf32>,
      tpu.vector_store %arg7[%swap3A_468, %swap3A_469], %gather3A_466 {strides = array<i32>} : memref<32x512xf32, #tpu.memory_space<vmem>>, vector<16xf32>,
      %broadcast_in_dim3A_471 = arith.constant 23 : i32
      %broadcast_in_dim3A_472 = vector.broadcast %broadcast_in_dim3A_471 : i32 to vector<16xi32>
      %gather3A_473 = tpu.vector_load_idx %arg5[%broadcast_in_dim3A_472, %gather3A_309] : memref<32x1000xf32, #tpu.memory_space<vmem>>[vector<16xi32>, vector<16xi32>], vector<16xf32>,
      %swap3A_474 = arith.constant 23 : i32
      %swap3A_475 = arith.index_cast %swap3A_474 : i32 to index
      %swap3A_476 = arith.index_cast %add3A_306 : i32 to index
      %swap3A_477 = tpu.vector_load %arg7[%swap3A_475, %swap3A_476] {strides = array<i32>} : memref<32x512xf32, #tpu.memory_space<vmem>>, vector<16xf32>,
      tpu.vector_store %arg7[%swap3A_475, %swap3A_476], %gather3A_473 {strides = array<i32>} : memref<32x512xf32, #tpu.memory_space<vmem>>, vector<16xf32>,
      %broadcast_in_dim3A_478 = arith.constant 24 : i32
      %broadcast_in_dim3A_479 = vector.broadcast %broadcast_in_dim3A_478 : i32 to vector<16xi32>
      %gather3A_480 = tpu.vector_load_idx %arg5[%broadcast_in_dim3A_479, %gather3A_309] : memref<32x1000xf32, #tpu.memory_space<vmem>>[vector<16xi32>, vector<16xi32>], vector<16xf32>,
      %swap3A_481 = arith.constant 24 : i32
      %swap3A_482 = arith.index_cast %swap3A_481 : i32 to index
      %swap3A_483 = arith.index_cast %add3A_306 : i32 to index
      %swap3A_484 = tpu.vector_load %arg7[%swap3A_482, %swap3A_483] {strides = array<i32>} : memref<32x512xf32, #tpu.memory_space<vmem>>, vector<16xf32>,
      tpu.vector_store %arg7[%swap3A_482, %swap3A_483], %gather3A_480 {strides = array<i32>} : memref<32x512xf32, #tpu.memory_space<vmem>>, vector<16xf32>,
      %broadcast_in_dim3A_485 = arith.constant 25 : i32
      %broadcast_in_dim3A_486 = vector.broadcast %broadcast_in_dim3A_485 : i32 to vector<16xi32>
      %gather3A_487 = tpu.vector_load_idx %arg5[%broadcast_in_dim3A_486, %gather3A_309] : memref<32x1000xf32, #tpu.memory_space<vmem>>[vector<16xi32>, vector<16xi32>], vector<16xf32>,
      %swap3A_488 = arith.constant 25 : i32
      %swap3A_489 = arith.index_cast %swap3A_488 : i32 to index
      %swap3A_490 = arith.index_cast %add3A_306 : i32 to index
      %swap3A_491 = tpu.vector_load %arg7[%swap3A_489, %swap3A_490] {strides = array<i32>} : memref<32x512xf32, #tpu.memory_space<vmem>>, vector<16xf32>,
      tpu.vector_store %arg7[%swap3A_489, %swap3A_490], %gather3A_487 {strides = array<i32>} : memref<32x512xf32, #tpu.memory_space<vmem>>, vector<16xf32>,
      %broadcast_in_dim3A_492 = arith.constant 26 : i32
      %broadcast_in_dim3A_493 = vector.broadcast %broadcast_in_dim3A_492 : i32 to vector<16xi32>
      %gather3A_494 = tpu.vector_load_idx %arg5[%broadcast_in_dim3A_493, %gather3A_309] : memref<32x1000xf32, #tpu.memory_space<vmem>>[vector<16xi32>, vector<16xi32>], vector<16xf32>,
      %swap3A_495 = arith.constant 26 : i32
      %swap3A_496 = arith.index_cast %swap3A_495 : i32 to index
      %swap3A_497 = arith.index_cast %add3A_306 : i32 to index
      %swap3A_498 = tpu.vector_load %arg7[%swap3A_496, %swap3A_497] {strides = array<i32>} : memref<32x512xf32, #tpu.memory_space<vmem>>, vector<16xf32>,
      tpu.vector_store %arg7[%swap3A_496, %swap3A_497], %gather3A_494 {strides = array<i32>} : memref<32x512xf32, #tpu.memory_space<vmem>>, vector<16xf32>,
      %broadcast_in_dim3A_499 = arith.constant 27 : i32
      %broadcast_in_dim3A_500 = vector.broadcast %broadcast_in_dim3A_499 : i32 to vector<16xi32>
      %gather3A_501 = tpu.vector_load_idx %arg5[%broadcast_in_dim3A_500, %gather3A_309] : memref<32x1000xf32, #tpu.memory_space<vmem>>[vector<16xi32>, vector<16xi32>], vector<16xf32>,
      %swap3A_502 = arith.constant 27 : i32
      %swap3A_503 = arith.index_cast %swap3A_502 : i32 to index
      %swap3A_504 = arith.index_cast %add3A_306 : i32 to index
      %swap3A_505 = tpu.vector_load %arg7[%swap3A_503, %swap3A_504] {strides = array<i32>} : memref<32x512xf32, #tpu.memory_space<vmem>>, vector<16xf32>,
      tpu.vector_store %arg7[%swap3A_503, %swap3A_504], %gather3A_501 {strides = array<i32>} : memref<32x512xf32, #tpu.memory_space<vmem>>, vector<16xf32>,
      %broadcast_in_dim3A_506 = arith.constant 28 : i32
      %broadcast_in_dim3A_507 = vector.broadcast %broadcast_in_dim3A_506 : i32 to vector<16xi32>
      %gather3A_508 = tpu.vector_load_idx %arg5[%broadcast_in_dim3A_507, %gather3A_309] : memref<32x1000xf32, #tpu.memory_space<vmem>>[vector<16xi32>, vector<16xi32>], vector<16xf32>,
      %swap3A_509 = arith.constant 28 : i32
      %swap3A_510 = arith.index_cast %swap3A_509 : i32 to index
      %swap3A_511 = arith.index_cast %add3A_306 : i32 to index
      %swap3A_512 = tpu.vector_load %arg7[%swap3A_510, %swap3A_511] {strides = array<i32>} : memref<32x512xf32, #tpu.memory_space<vmem>>, vector<16xf32>,
      tpu.vector_store %arg7[%swap3A_510, %swap3A_511], %gather3A_508 {strides = array<i32>} : memref<32x512xf32, #tpu.memory_space<vmem>>, vector<16xf32>,
      %broadcast_in_dim3A_513 = arith.constant 29 : i32
      %broadcast_in_dim3A_514 = vector.broadcast %broadcast_in_dim3A_513 : i32 to vector<16xi32>
      %gather3A_515 = tpu.vector_load_idx %arg5[%broadcast_in_dim3A_514, %gather3A_309] : memref<32x1000xf32, #tpu.memory_space<vmem>>[vector<16xi32>, vector<16xi32>], vector<16xf32>,
      %swap3A_516 = arith.constant 29 : i32
      %swap3A_517 = arith.index_cast %swap3A_516 : i32 to index
      %swap3A_518 = arith.index_cast %add3A_306 : i32 to index
      %swap3A_519 = tpu.vector_load %arg7[%swap3A_517, %swap3A_518] {strides = array<i32>} : memref<32x512xf32, #tpu.memory_space<vmem>>, vector<16xf32>,
      tpu.vector_store %arg7[%swap3A_517, %swap3A_518], %gather3A_515 {strides = array<i32>} : memref<32x512xf32, #tpu.memory_space<vmem>>, vector<16xf32>,
      %broadcast_in_dim3A_520 = arith.constant 30 : i32
      %broadcast_in_dim3A_521 = vector.broadcast %broadcast_in_dim3A_520 : i32 to vector<16xi32>
      %gather3A_522 = tpu.vector_load_idx %arg5[%broadcast_in_dim3A_521, %gather3A_309] : memref<32x1000xf32, #tpu.memory_space<vmem>>[vector<16xi32>, vector<16xi32>], vector<16xf32>,
      %swap3A_523 = arith.constant 30 : i32
      %swap3A_524 = arith.index_cast %swap3A_523 : i32 to index
      %swap3A_525 = arith.index_cast %add3A_306 : i32 to index
      %swap3A_526 = tpu.vector_load %arg7[%swap3A_524, %swap3A_525] {strides = array<i32>} : memref<32x512xf32, #tpu.memory_space<vmem>>, vector<16xf32>,
      tpu.vector_store %arg7[%swap3A_524, %swap3A_525], %gather3A_522 {strides = array<i32>} : memref<32x512xf32, #tpu.memory_space<vmem>>, vector<16xf32>,
      %broadcast_in_dim3A_527 = arith.constant 31 : i32
      %broadcast_in_dim3A_528 = vector.broadcast %broadcast_in_dim3A_527 : i32 to vector<16xi32>
      %gather3A_529 = tpu.vector_load_idx %arg5[%broadcast_in_dim3A_528, %gather3A_309] : memref<32x1000xf32, #tpu.memory_space<vmem>>[vector<16xi32>, vector<16xi32>], vector<16xf32>,
      %swap3A_530 = arith.constant 31 : i32
      %swap3A_531 = arith.index_cast %swap3A_530 : i32 to index
      %swap3A_532 = arith.index_cast %add3A_306 : i32 to index
      %swap3A_533 = tpu.vector_load %arg7[%swap3A_531, %swap3A_532] {strides = array<i32>} : memref<32x512xf32, #tpu.memory_space<vmem>>, vector<16xf32>,
      tpu.vector_store %arg7[%swap3A_531, %swap3A_532], %gather3A_529 {strides = array<i32>} : memref<32x512xf32, #tpu.memory_space<vmem>>, vector<16xf32>,
    }
    %scan3A_14 = arith.constant 8 : i32
    %add3A_15 = arith.constant 0 : i32
    %add3A_16 = arith.addi %mul3A_2, %add3A_15 : i32
    %dma_start3A_17 = arith.constant 0 : i32
    %dma_start3A_18 = arith.constant 0 : i32
    %dma_start3A_19 = tpu.memref_slice %arg7[%dma_start3A_17, %dma_start3A_18] : memref<32x512xf32, #tpu.memory_space<vmem>> -> memref<32x256xf32, #tpu.memory_space<vmem>>
    %dma_start3A_20 = arith.constant 0 : i32
    %dma_start3A_21 = tpu.memref_slice %arg4[%dma_start3A_20, %add3A_16] : memref<32x16384xf32, #tpu.memory_space<hbm>> -> memref<32x256xf32, #tpu.memory_space<hbm>>
    %dma_start3A_22 = arith.constant 0 : i32
    %dma_start3A_23 = tpu.memref_slice %arg4[%dma_start3A_22, %add3A_16] : memref<32x16384xf32, #tpu.memory_space<hbm>> -> memref<32x256xf32, #tpu.memory_space<hbm>>
    %dma_start3A_24 = arith.constant 0 : i32
    %dma_start3A_25 = arith.constant 0 : i32
    %dma_start3A_26 = tpu.memref_slice %arg7[%dma_start3A_24, %dma_start3A_25] : memref<32x512xf32, #tpu.memory_space<vmem>> -> memref<32x256xf32, #tpu.memory_space<vmem>>
    tpu.enqueue_dma source(%dma_start3A_26 : memref<32x256xf32, #tpu.memory_space<vmem>>) target(%dma_start3A_23 : memref<32x256xf32, #tpu.memory_space<hbm>>) target_semaphore(%arg10 : memref<!tpu.dma_semaphore, #tpu.memory_space<semaphore_mem>>)
    %scan3A_27 = arith.constant 0 : i32
    %scan3A_28 = arith.constant 0 : i32
    %scan3A_29 = arith.constant 8 : i32
    %scan3A_30 = arith.addi %scan3A_28, %scan3A_29 : i32
    %scan3A_31 = arith.constant 1 : i32
    scf.for %scan3A_65 = %scan3A_28 to %scan3A_30 step %scan3A_31  : i32 {
      %mul3A_66 = arith.constant 2 : i32
      %mul3A_67 = arith.muli %scan3A_65, %mul3A_66 : i32
      %add3A_68 = arith.constant 0 : i32
      %add3A_69 = arith.addi %mul3A_67, %add3A_68 : i32
      %mul3A_70 = arith.constant 16 : i32
      %mul3A_71 = arith.muli %add3A_69, %mul3A_70 : i32
      %add3A_72 = arith.constant 256 : i32
      %add3A_73 = arith.addi %add3A_72, %mul3A_71 : i32
      %add3A_74 = vector.broadcast %add3A_73 : i32 to vector<16xi32>
      %add3A_75 = arith.addi %iota3A, %add3A_74 : vector<16xi32>
      %gather3A = tpu.vector_load_idx %arg6[%broadcast_in_dim3A_9, %add3A_75] : memref<1x512xi32, #tpu.memory_space<vmem>>[vector<16xi32>, vector<16xi32>], vector<16xi32>,
      %broadcast_in_dim3A_76 = arith.constant 0 : i32
      %broadcast_in_dim3A_77 = vector.broadcast %broadcast_in_dim3A_76 : i32 to vector<16xi32>
      %gather3A_78 = tpu.vector_load_idx %arg5[%broadcast_in_dim3A_77, %gather3A] : memref<32x1000xf32, #tpu.memory_space<vmem>>[vector<16xi32>, vector<16xi32>], vector<16xf32>,
      %swap3A = arith.constant 0 : i32
      %swap3A_79 = arith.index_cast %swap3A : i32 to index
      %swap3A_80 = arith.index_cast %add3A_73 : i32 to index
      %swap3A_81 = tpu.vector_load %arg7[%swap3A_79, %swap3A_80] {strides = array<i32>} : memref<32x512xf32, #tpu.memory_space<vmem>>, vector<16xf32>,
      tpu.vector_store %arg7[%swap3A_79, %swap3A_80], %gather3A_78 {strides = array<i32>} : memref<32x512xf32, #tpu.memory_space<vmem>>, vector<16xf32>,
      %broadcast_in_dim3A_82 = arith.constant 1 : i32
      %broadcast_in_dim3A_83 = vector.broadcast %broadcast_in_dim3A_82 : i32 to vector<16xi32>
      %gather3A_84 = tpu.vector_load_idx %arg5[%broadcast_in_dim3A_83, %gather3A] : memref<32x1000xf32, #tpu.memory_space<vmem>>[vector<16xi32>, vector<16xi32>], vector<16xf32>,
      %swap3A_85 = arith.constant 1 : i32
      %swap3A_86 = arith.index_cast %swap3A_85 : i32 to index
      %swap3A_87 = arith.index_cast %add3A_73 : i32 to index
      %swap3A_88 = tpu.vector_load %arg7[%swap3A_86, %swap3A_87] {strides = array<i32>} : memref<32x512xf32, #tpu.memory_space<vmem>>, vector<16xf32>,
      tpu.vector_store %arg7[%swap3A_86, %swap3A_87], %gather3A_84 {strides = array<i32>} : memref<32x512xf32, #tpu.memory_space<vmem>>, vector<16xf32>,
      %broadcast_in_dim3A_89 = arith.constant 2 : i32
      %broadcast_in_dim3A_90 = vector.broadcast %broadcast_in_dim3A_89 : i32 to vector<16xi32>
      %gather3A_91 = tpu.vector_load_idx %arg5[%broadcast_in_dim3A_90, %gather3A] : memref<32x1000xf32, #tpu.memory_space<vmem>>[vector<16xi32>, vector<16xi32>], vector<16xf32>,
      %swap3A_92 = arith.constant 2 : i32
      %swap3A_93 = arith.index_cast %swap3A_92 : i32 to index
      %swap3A_94 = arith.index_cast %add3A_73 : i32 to index
      %swap3A_95 = tpu.vector_load %arg7[%swap3A_93, %swap3A_94] {strides = array<i32>} : memref<32x512xf32, #tpu.memory_space<vmem>>, vector<16xf32>,
      tpu.vector_store %arg7[%swap3A_93, %swap3A_94], %gather3A_91 {strides = array<i32>} : memref<32x512xf32, #tpu.memory_space<vmem>>, vector<16xf32>,
      %broadcast_in_dim3A_96 = arith.constant 3 : i32
      %broadcast_in_dim3A_97 = vector.broadcast %broadcast_in_dim3A_96 : i32 to vector<16xi32>
      %gather3A_98 = tpu.vector_load_idx %arg5[%broadcast_in_dim3A_97, %gather3A] : memref<32x1000xf32, #tpu.memory_space<vmem>>[vector<16xi32>, vector<16xi32>], vector<16xf32>,
      %swap3A_99 = arith.constant 3 : i32
      %swap3A_100 = arith.index_cast %swap3A_99 : i32 to index
      %swap3A_101 = arith.index_cast %add3A_73 : i32 to index
      %swap3A_102 = tpu.vector_load %arg7[%swap3A_100, %swap3A_101] {strides = array<i32>} : memref<32x512xf32, #tpu.memory_space<vmem>>, vector<16xf32>,
      tpu.vector_store %arg7[%swap3A_100, %swap3A_101], %gather3A_98 {strides = array<i32>} : memref<32x512xf32, #tpu.memory_space<vmem>>, vector<16xf32>,
      %broadcast_in_dim3A_103 = arith.constant 4 : i32
      %broadcast_in_dim3A_104 = vector.broadcast %broadcast_in_dim3A_103 : i32 to vector<16xi32>
      %gather3A_105 = tpu.vector_load_idx %arg5[%broadcast_in_dim3A_104, %gather3A] : memref<32x1000xf32, #tpu.memory_space<vmem>>[vector<16xi32>, vector<16xi32>], vector<16xf32>,
      %swap3A_106 = arith.constant 4 : i32
      %swap3A_107 = arith.index_cast %swap3A_106 : i32 to index
      %swap3A_108 = arith.index_cast %add3A_73 : i32 to index
      %swap3A_109 = tpu.vector_load %arg7[%swap3A_107, %swap3A_108] {strides = array<i32>} : memref<32x512xf32, #tpu.memory_space<vmem>>, vector<16xf32>,
      tpu.vector_store %arg7[%swap3A_107, %swap3A_108], %gather3A_105 {strides = array<i32>} : memref<32x512xf32, #tpu.memory_space<vmem>>, vector<16xf32>,
      %broadcast_in_dim3A_110 = arith.constant 5 : i32
      %broadcast_in_dim3A_111 = vector.broadcast %broadcast_in_dim3A_110 : i32 to vector<16xi32>
      %gather3A_112 = tpu.vector_load_idx %arg5[%broadcast_in_dim3A_111, %gather3A] : memref<32x1000xf32, #tpu.memory_space<vmem>>[vector<16xi32>, vector<16xi32>], vector<16xf32>,
      %swap3A_113 = arith.constant 5 : i32
      %swap3A_114 = arith.index_cast %swap3A_113 : i32 to index
      %swap3A_115 = arith.index_cast %add3A_73 : i32 to index
      %swap3A_116 = tpu.vector_load %arg7[%swap3A_114, %swap3A_115] {strides = array<i32>} : memref<32x512xf32, #tpu.memory_space<vmem>>, vector<16xf32>,
      tpu.vector_store %arg7[%swap3A_114, %swap3A_115], %gather3A_112 {strides = array<i32>} : memref<32x512xf32, #tpu.memory_space<vmem>>, vector<16xf32>,
      %broadcast_in_dim3A_117 = arith.constant 6 : i32
      %broadcast_in_dim3A_118 = vector.broadcast %broadcast_in_dim3A_117 : i32 to vector<16xi32>
      %gather3A_119 = tpu.vector_load_idx %arg5[%broadcast_in_dim3A_118, %gather3A] : memref<32x1000xf32, #tpu.memory_space<vmem>>[vector<16xi32>, vector<16xi32>], vector<16xf32>,
      %swap3A_120 = arith.constant 6 : i32
      %swap3A_121 = arith.index_cast %swap3A_120 : i32 to index
      %swap3A_122 = arith.index_cast %add3A_73 : i32 to index
      %swap3A_123 = tpu.vector_load %arg7[%swap3A_121, %swap3A_122] {strides = array<i32>} : memref<32x512xf32, #tpu.memory_space<vmem>>, vector<16xf32>,
      tpu.vector_store %arg7[%swap3A_121, %swap3A_122], %gather3A_119 {strides = array<i32>} : memref<32x512xf32, #tpu.memory_space<vmem>>, vector<16xf32>,
      %broadcast_in_dim3A_124 = arith.constant 7 : i32
      %broadcast_in_dim3A_125 = vector.broadcast %broadcast_in_dim3A_124 : i32 to vector<16xi32>
      %gather3A_126 = tpu.vector_load_idx %arg5[%broadcast_in_dim3A_125, %gather3A] : memref<32x1000xf32, #tpu.memory_space<vmem>>[vector<16xi32>, vector<16xi32>], vector<16xf32>,
      %swap3A_127 = arith.constant 7 : i32
      %swap3A_128 = arith.index_cast %swap3A_127 : i32 to index
      %swap3A_129 = arith.index_cast %add3A_73 : i32 to index
      %swap3A_130 = tpu.vector_load %arg7[%swap3A_128, %swap3A_129] {strides = array<i32>} : memref<32x512xf32, #tpu.memory_space<vmem>>, vector<16xf32>,
      tpu.vector_store %arg7[%swap3A_128, %swap3A_129], %gather3A_126 {strides = array<i32>} : memref<32x512xf32, #tpu.memory_space<vmem>>, vector<16xf32>,
      %broadcast_in_dim3A_131 = arith.constant 8 : i32
      %broadcast_in_dim3A_132 = vector.broadcast %broadcast_in_dim3A_131 : i32 to vector<16xi32>
      %gather3A_133 = tpu.vector_load_idx %arg5[%broadcast_in_dim3A_132, %gather3A] : memref<32x1000xf32, #tpu.memory_space<vmem>>[vector<16xi32>, vector<16xi32>], vector<16xf32>,
      %swap3A_134 = arith.constant 8 : i32
      %swap3A_135 = arith.index_cast %swap3A_134 : i32 to index
      %swap3A_136 = arith.index_cast %add3A_73 : i32 to index
      %swap3A_137 = tpu.vector_load %arg7[%swap3A_135, %swap3A_136] {strides = array<i32>} : memref<32x512xf32, #tpu.memory_space<vmem>>, vector<16xf32>,
      tpu.vector_store %arg7[%swap3A_135, %swap3A_136], %gather3A_133 {strides = array<i32>} : memref<32x512xf32, #tpu.memory_space<vmem>>, vector<16xf32>,
      %broadcast_in_dim3A_138 = arith.constant 9 : i32
      %broadcast_in_dim3A_139 = vector.broadcast %broadcast_in_dim3A_138 : i32 to vector<16xi32>
      %gather3A_140 = tpu.vector_load_idx %arg5[%broadcast_in_dim3A_139, %gather3A] : memref<32x1000xf32, #tpu.memory_space<vmem>>[vector<16xi32>, vector<16xi32>], vector<16xf32>,
      %swap3A_141 = arith.constant 9 : i32
      %swap3A_142 = arith.index_cast %swap3A_141 : i32 to index
      %swap3A_143 = arith.index_cast %add3A_73 : i32 to index
      %swap3A_144 = tpu.vector_load %arg7[%swap3A_142, %swap3A_143] {strides = array<i32>} : memref<32x512xf32, #tpu.memory_space<vmem>>, vector<16xf32>,
      tpu.vector_store %arg7[%swap3A_142, %swap3A_143], %gather3A_140 {strides = array<i32>} : memref<32x512xf32, #tpu.memory_space<vmem>>, vector<16xf32>,
      %broadcast_in_dim3A_145 = arith.constant 10 : i32
      %broadcast_in_dim3A_146 = vector.broadcast %broadcast_in_dim3A_145 : i32 to vector<16xi32>
      %gather3A_147 = tpu.vector_load_idx %arg5[%broadcast_in_dim3A_146, %gather3A] : memref<32x1000xf32, #tpu.memory_space<vmem>>[vector<16xi32>, vector<16xi32>], vector<16xf32>,
      %swap3A_148 = arith.constant 10 : i32
      %swap3A_149 = arith.index_cast %swap3A_148 : i32 to index
      %swap3A_150 = arith.index_cast %add3A_73 : i32 to index
      %swap3A_151 = tpu.vector_load %arg7[%swap3A_149, %swap3A_150] {strides = array<i32>} : memref<32x512xf32, #tpu.memory_space<vmem>>, vector<16xf32>,
      tpu.vector_store %arg7[%swap3A_149, %swap3A_150], %gather3A_147 {strides = array<i32>} : memref<32x512xf32, #tpu.memory_space<vmem>>, vector<16xf32>,
      %broadcast_in_dim3A_152 = arith.constant 11 : i32
      %broadcast_in_dim3A_153 = vector.broadcast %broadcast_in_dim3A_152 : i32 to vector<16xi32>
      %gather3A_154 = tpu.vector_load_idx %arg5[%broadcast_in_dim3A_153, %gather3A] : memref<32x1000xf32, #tpu.memory_space<vmem>>[vector<16xi32>, vector<16xi32>], vector<16xf32>,
      %swap3A_155 = arith.constant 11 : i32
      %swap3A_156 = arith.index_cast %swap3A_155 : i32 to index
      %swap3A_157 = arith.index_cast %add3A_73 : i32 to index
      %swap3A_158 = tpu.vector_load %arg7[%swap3A_156, %swap3A_157] {strides = array<i32>} : memref<32x512xf32, #tpu.memory_space<vmem>>, vector<16xf32>,
      tpu.vector_store %arg7[%swap3A_156, %swap3A_157], %gather3A_154 {strides = array<i32>} : memref<32x512xf32, #tpu.memory_space<vmem>>, vector<16xf32>,
      %broadcast_in_dim3A_159 = arith.constant 12 : i32
      %broadcast_in_dim3A_160 = vector.broadcast %broadcast_in_dim3A_159 : i32 to vector<16xi32>
      %gather3A_161 = tpu.vector_load_idx %arg5[%broadcast_in_dim3A_160, %gather3A] : memref<32x1000xf32, #tpu.memory_space<vmem>>[vector<16xi32>, vector<16xi32>], vector<16xf32>,
      %swap3A_162 = arith.constant 12 : i32
      %swap3A_163 = arith.index_cast %swap3A_162 : i32 to index
      %swap3A_164 = arith.index_cast %add3A_73 : i32 to index
      %swap3A_165 = tpu.vector_load %arg7[%swap3A_163, %swap3A_164] {strides = array<i32>} : memref<32x512xf32, #tpu.memory_space<vmem>>, vector<16xf32>,
      tpu.vector_store %arg7[%swap3A_163, %swap3A_164], %gather3A_161 {strides = array<i32>} : memref<32x512xf32, #tpu.memory_space<vmem>>, vector<16xf32>,
      %broadcast_in_dim3A_166 = arith.constant 13 : i32
      %broadcast_in_dim3A_167 = vector.broadcast %broadcast_in_dim3A_166 : i32 to vector<16xi32>
      %gather3A_168 = tpu.vector_load_idx %arg5[%broadcast_in_dim3A_167, %gather3A] : memref<32x1000xf32, #tpu.memory_space<vmem>>[vector<16xi32>, vector<16xi32>], vector<16xf32>,
      %swap3A_169 = arith.constant 13 : i32
      %swap3A_170 = arith.index_cast %swap3A_169 : i32 to index
      %swap3A_171 = arith.index_cast %add3A_73 : i32 to index
      %swap3A_172 = tpu.vector_load %arg7[%swap3A_170, %swap3A_171] {strides = array<i32>} : memref<32x512xf32, #tpu.memory_space<vmem>>, vector<16xf32>,
      tpu.vector_store %arg7[%swap3A_170, %swap3A_171], %gather3A_168 {strides = array<i32>} : memref<32x512xf32, #tpu.memory_space<vmem>>, vector<16xf32>,
      %broadcast_in_dim3A_173 = arith.constant 14 : i32
      %broadcast_in_dim3A_174 = vector.broadcast %broadcast_in_dim3A_173 : i32 to vector<16xi32>
      %gather3A_175 = tpu.vector_load_idx %arg5[%broadcast_in_dim3A_174, %gather3A] : memref<32x1000xf32, #tpu.memory_space<vmem>>[vector<16xi32>, vector<16xi32>], vector<16xf32>,
      %swap3A_176 = arith.constant 14 : i32
      %swap3A_177 = arith.index_cast %swap3A_176 : i32 to index
      %swap3A_178 = arith.index_cast %add3A_73 : i32 to index
      %swap3A_179 = tpu.vector_load %arg7[%swap3A_177, %swap3A_178] {strides = array<i32>} : memref<32x512xf32, #tpu.memory_space<vmem>>, vector<16xf32>,
      tpu.vector_store %arg7[%swap3A_177, %swap3A_178], %gather3A_175 {strides = array<i32>} : memref<32x512xf32, #tpu.memory_space<vmem>>, vector<16xf32>,
      %broadcast_in_dim3A_180 = arith.constant 15 : i32
      %broadcast_in_dim3A_181 = vector.broadcast %broadcast_in_dim3A_180 : i32 to vector<16xi32>
      %gather3A_182 = tpu.vector_load_idx %arg5[%broadcast_in_dim3A_181, %gather3A] : memref<32x1000xf32, #tpu.memory_space<vmem>>[vector<16xi32>, vector<16xi32>], vector<16xf32>,
      %swap3A_183 = arith.constant 15 : i32
      %swap3A_184 = arith.index_cast %swap3A_183 : i32 to index
      %swap3A_185 = arith.index_cast %add3A_73 : i32 to index
      %swap3A_186 = tpu.vector_load %arg7[%swap3A_184, %swap3A_185] {strides = array<i32>} : memref<32x512xf32, #tpu.memory_space<vmem>>, vector<16xf32>,
      tpu.vector_store %arg7[%swap3A_184, %swap3A_185], %gather3A_182 {strides = array<i32>} : memref<32x512xf32, #tpu.memory_space<vmem>>, vector<16xf32>,
      %broadcast_in_dim3A_187 = arith.constant 16 : i32
      %broadcast_in_dim3A_188 = vector.broadcast %broadcast_in_dim3A_187 : i32 to vector<16xi32>
      %gather3A_189 = tpu.vector_load_idx %arg5[%broadcast_in_dim3A_188, %gather3A] : memref<32x1000xf32, #tpu.memory_space<vmem>>[vector<16xi32>, vector<16xi32>], vector<16xf32>,
      %swap3A_190 = arith.constant 16 : i32
      %swap3A_191 = arith.index_cast %swap3A_190 : i32 to index
      %swap3A_192 = arith.index_cast %add3A_73 : i32 to index
      %swap3A_193 = tpu.vector_load %arg7[%swap3A_191, %swap3A_192] {strides = array<i32>} : memref<32x512xf32, #tpu.memory_space<vmem>>, vector<16xf32>,
      tpu.vector_store %arg7[%swap3A_191, %swap3A_192], %gather3A_189 {strides = array<i32>} : memref<32x512xf32, #tpu.memory_space<vmem>>, vector<16xf32>,
      %broadcast_in_dim3A_194 = arith.constant 17 : i32
      %broadcast_in_dim3A_195 = vector.broadcast %broadcast_in_dim3A_194 : i32 to vector<16xi32>
      %gather3A_196 = tpu.vector_load_idx %arg5[%broadcast_in_dim3A_195, %gather3A] : memref<32x1000xf32, #tpu.memory_space<vmem>>[vector<16xi32>, vector<16xi32>], vector<16xf32>,
      %swap3A_197 = arith.constant 17 : i32
      %swap3A_198 = arith.index_cast %swap3A_197 : i32 to index
      %swap3A_199 = arith.index_cast %add3A_73 : i32 to index
      %swap3A_200 = tpu.vector_load %arg7[%swap3A_198, %swap3A_199] {strides = array<i32>} : memref<32x512xf32, #tpu.memory_space<vmem>>, vector<16xf32>,
      tpu.vector_store %arg7[%swap3A_198, %swap3A_199], %gather3A_196 {strides = array<i32>} : memref<32x512xf32, #tpu.memory_space<vmem>>, vector<16xf32>,
      %broadcast_in_dim3A_201 = arith.constant 18 : i32
      %broadcast_in_dim3A_202 = vector.broadcast %broadcast_in_dim3A_201 : i32 to vector<16xi32>
      %gather3A_203 = tpu.vector_load_idx %arg5[%broadcast_in_dim3A_202, %gather3A] : memref<32x1000xf32, #tpu.memory_space<vmem>>[vector<16xi32>, vector<16xi32>], vector<16xf32>,
      %swap3A_204 = arith.constant 18 : i32
      %swap3A_205 = arith.index_cast %swap3A_204 : i32 to index
      %swap3A_206 = arith.index_cast %add3A_73 : i32 to index
      %swap3A_207 = tpu.vector_load %arg7[%swap3A_205, %swap3A_206] {strides = array<i32>} : memref<32x512xf32, #tpu.memory_space<vmem>>, vector<16xf32>,
      tpu.vector_store %arg7[%swap3A_205, %swap3A_206], %gather3A_203 {strides = array<i32>} : memref<32x512xf32, #tpu.memory_space<vmem>>, vector<16xf32>,
      %broadcast_in_dim3A_208 = arith.constant 19 : i32
      %broadcast_in_dim3A_209 = vector.broadcast %broadcast_in_dim3A_208 : i32 to vector<16xi32>
      %gather3A_210 = tpu.vector_load_idx %arg5[%broadcast_in_dim3A_209, %gather3A] : memref<32x1000xf32, #tpu.memory_space<vmem>>[vector<16xi32>, vector<16xi32>], vector<16xf32>,
      %swap3A_211 = arith.constant 19 : i32
      %swap3A_212 = arith.index_cast %swap3A_211 : i32 to index
      %swap3A_213 = arith.index_cast %add3A_73 : i32 to index
      %swap3A_214 = tpu.vector_load %arg7[%swap3A_212, %swap3A_213] {strides = array<i32>} : memref<32x512xf32, #tpu.memory_space<vmem>>, vector<16xf32>,
      tpu.vector_store %arg7[%swap3A_212, %swap3A_213], %gather3A_210 {strides = array<i32>} : memref<32x512xf32, #tpu.memory_space<vmem>>, vector<16xf32>,
      %broadcast_in_dim3A_215 = arith.constant 20 : i32
      %broadcast_in_dim3A_216 = vector.broadcast %broadcast_in_dim3A_215 : i32 to vector<16xi32>
      %gather3A_217 = tpu.vector_load_idx %arg5[%broadcast_in_dim3A_216, %gather3A] : memref<32x1000xf32, #tpu.memory_space<vmem>>[vector<16xi32>, vector<16xi32>], vector<16xf32>,
      %swap3A_218 = arith.constant 20 : i32
      %swap3A_219 = arith.index_cast %swap3A_218 : i32 to index
      %swap3A_220 = arith.index_cast %add3A_73 : i32 to index
      %swap3A_221 = tpu.vector_load %arg7[%swap3A_219, %swap3A_220] {strides = array<i32>} : memref<32x512xf32, #tpu.memory_space<vmem>>, vector<16xf32>,
      tpu.vector_store %arg7[%swap3A_219, %swap3A_220], %gather3A_217 {strides = array<i32>} : memref<32x512xf32, #tpu.memory_space<vmem>>, vector<16xf32>,
      %broadcast_in_dim3A_222 = arith.constant 21 : i32
      %broadcast_in_dim3A_223 = vector.broadcast %broadcast_in_dim3A_222 : i32 to vector<16xi32>
      %gather3A_224 = tpu.vector_load_idx %arg5[%broadcast_in_dim3A_223, %gather3A] : memref<32x1000xf32, #tpu.memory_space<vmem>>[vector<16xi32>, vector<16xi32>], vector<16xf32>,
      %swap3A_225 = arith.constant 21 : i32
      %swap3A_226 = arith.index_cast %swap3A_225 : i32 to index
      %swap3A_227 = arith.index_cast %add3A_73 : i32 to index
      %swap3A_228 = tpu.vector_load %arg7[%swap3A_226, %swap3A_227] {strides = array<i32>} : memref<32x512xf32, #tpu.memory_space<vmem>>, vector<16xf32>,
      tpu.vector_store %arg7[%swap3A_226, %swap3A_227], %gather3A_224 {strides = array<i32>} : memref<32x512xf32, #tpu.memory_space<vmem>>, vector<16xf32>,
      %broadcast_in_dim3A_229 = arith.constant 22 : i32
      %broadcast_in_dim3A_230 = vector.broadcast %broadcast_in_dim3A_229 : i32 to vector<16xi32>
      %gather3A_231 = tpu.vector_load_idx %arg5[%broadcast_in_dim3A_230, %gather3A] : memref<32x1000xf32, #tpu.memory_space<vmem>>[vector<16xi32>, vector<16xi32>], vector<16xf32>,
      %swap3A_232 = arith.constant 22 : i32
      %swap3A_233 = arith.index_cast %swap3A_232 : i32 to index
      %swap3A_234 = arith.index_cast %add3A_73 : i32 to index
      %swap3A_235 = tpu.vector_load %arg7[%swap3A_233, %swap3A_234] {strides = array<i32>} : memref<32x512xf32, #tpu.memory_space<vmem>>, vector<16xf32>,
      tpu.vector_store %arg7[%swap3A_233, %swap3A_234], %gather3A_231 {strides = array<i32>} : memref<32x512xf32, #tpu.memory_space<vmem>>, vector<16xf32>,
      %broadcast_in_dim3A_236 = arith.constant 23 : i32
      %broadcast_in_dim3A_237 = vector.broadcast %broadcast_in_dim3A_236 : i32 to vector<16xi32>
      %gather3A_238 = tpu.vector_load_idx %arg5[%broadcast_in_dim3A_237, %gather3A] : memref<32x1000xf32, #tpu.memory_space<vmem>>[vector<16xi32>, vector<16xi32>], vector<16xf32>,
      %swap3A_239 = arith.constant 23 : i32
      %swap3A_240 = arith.index_cast %swap3A_239 : i32 to index
      %swap3A_241 = arith.index_cast %add3A_73 : i32 to index
      %swap3A_242 = tpu.vector_load %arg7[%swap3A_240, %swap3A_241] {strides = array<i32>} : memref<32x512xf32, #tpu.memory_space<vmem>>, vector<16xf32>,
      tpu.vector_store %arg7[%swap3A_240, %swap3A_241], %gather3A_238 {strides = array<i32>} : memref<32x512xf32, #tpu.memory_space<vmem>>, vector<16xf32>,
      %broadcast_in_dim3A_243 = arith.constant 24 : i32
      %broadcast_in_dim3A_244 = vector.broadcast %broadcast_in_dim3A_243 : i32 to vector<16xi32>
      %gather3A_245 = tpu.vector_load_idx %arg5[%broadcast_in_dim3A_244, %gather3A] : memref<32x1000xf32, #tpu.memory_space<vmem>>[vector<16xi32>, vector<16xi32>], vector<16xf32>,
      %swap3A_246 = arith.constant 24 : i32
      %swap3A_247 = arith.index_cast %swap3A_246 : i32 to index
      %swap3A_248 = arith.index_cast %add3A_73 : i32 to index
      %swap3A_249 = tpu.vector_load %arg7[%swap3A_247, %swap3A_248] {strides = array<i32>} : memref<32x512xf32, #tpu.memory_space<vmem>>, vector<16xf32>,
      tpu.vector_store %arg7[%swap3A_247, %swap3A_248], %gather3A_245 {strides = array<i32>} : memref<32x512xf32, #tpu.memory_space<vmem>>, vector<16xf32>,
      %broadcast_in_dim3A_250 = arith.constant 25 : i32
      %broadcast_in_dim3A_251 = vector.broadcast %broadcast_in_dim3A_250 : i32 to vector<16xi32>
      %gather3A_252 = tpu.vector_load_idx %arg5[%broadcast_in_dim3A_251, %gather3A] : memref<32x1000xf32, #tpu.memory_space<vmem>>[vector<16xi32>, vector<16xi32>], vector<16xf32>,
      %swap3A_253 = arith.constant 25 : i32
      %swap3A_254 = arith.index_cast %swap3A_253 : i32 to index
      %swap3A_255 = arith.index_cast %add3A_73 : i32 to index
      %swap3A_256 = tpu.vector_load %arg7[%swap3A_254, %swap3A_255] {strides = array<i32>} : memref<32x512xf32, #tpu.memory_space<vmem>>, vector<16xf32>,
      tpu.vector_store %arg7[%swap3A_254, %swap3A_255], %gather3A_252 {strides = array<i32>} : memref<32x512xf32, #tpu.memory_space<vmem>>, vector<16xf32>,
      %broadcast_in_dim3A_257 = arith.constant 26 : i32
      %broadcast_in_dim3A_258 = vector.broadcast %broadcast_in_dim3A_257 : i32 to vector<16xi32>
      %gather3A_259 = tpu.vector_load_idx %arg5[%broadcast_in_dim3A_258, %gather3A] : memref<32x1000xf32, #tpu.memory_space<vmem>>[vector<16xi32>, vector<16xi32>], vector<16xf32>,
      %swap3A_260 = arith.constant 26 : i32
      %swap3A_261 = arith.index_cast %swap3A_260 : i32 to index
      %swap3A_262 = arith.index_cast %add3A_73 : i32 to index
      %swap3A_263 = tpu.vector_load %arg7[%swap3A_261, %swap3A_262] {strides = array<i32>} : memref<32x512xf32, #tpu.memory_space<vmem>>, vector<16xf32>,
      tpu.vector_store %arg7[%swap3A_261, %swap3A_262], %gather3A_259 {strides = array<i32>} : memref<32x512xf32, #tpu.memory_space<vmem>>, vector<16xf32>,
      %broadcast_in_dim3A_264 = arith.constant 27 : i32
      %broadcast_in_dim3A_265 = vector.broadcast %broadcast_in_dim3A_264 : i32 to vector<16xi32>
      %gather3A_266 = tpu.vector_load_idx %arg5[%broadcast_in_dim3A_265, %gather3A] : memref<32x1000xf32, #tpu.memory_space<vmem>>[vector<16xi32>, vector<16xi32>], vector<16xf32>,
      %swap3A_267 = arith.constant 27 : i32
      %swap3A_268 = arith.index_cast %swap3A_267 : i32 to index
      %swap3A_269 = arith.index_cast %add3A_73 : i32 to index
      %swap3A_270 = tpu.vector_load %arg7[%swap3A_268, %swap3A_269] {strides = array<i32>} : memref<32x512xf32, #tpu.memory_space<vmem>>, vector<16xf32>,
      tpu.vector_store %arg7[%swap3A_268, %swap3A_269], %gather3A_266 {strides = array<i32>} : memref<32x512xf32, #tpu.memory_space<vmem>>, vector<16xf32>,
      %broadcast_in_dim3A_271 = arith.constant 28 : i32
      %broadcast_in_dim3A_272 = vector.broadcast %broadcast_in_dim3A_271 : i32 to vector<16xi32>
      %gather3A_273 = tpu.vector_load_idx %arg5[%broadcast_in_dim3A_272, %gather3A] : memref<32x1000xf32, #tpu.memory_space<vmem>>[vector<16xi32>, vector<16xi32>], vector<16xf32>,
      %swap3A_274 = arith.constant 28 : i32
      %swap3A_275 = arith.index_cast %swap3A_274 : i32 to index
      %swap3A_276 = arith.index_cast %add3A_73 : i32 to index
      %swap3A_277 = tpu.vector_load %arg7[%swap3A_275, %swap3A_276] {strides = array<i32>} : memref<32x512xf32, #tpu.memory_space<vmem>>, vector<16xf32>,
      tpu.vector_store %arg7[%swap3A_275, %swap3A_276], %gather3A_273 {strides = array<i32>} : memref<32x512xf32, #tpu.memory_space<vmem>>, vector<16xf32>,
      %broadcast_in_dim3A_278 = arith.constant 29 : i32
      %broadcast_in_dim3A_279 = vector.broadcast %broadcast_in_dim3A_278 : i32 to vector<16xi32>
      %gather3A_280 = tpu.vector_load_idx %arg5[%broadcast_in_dim3A_279, %gather3A] : memref<32x1000xf32, #tpu.memory_space<vmem>>[vector<16xi32>, vector<16xi32>], vector<16xf32>,
      %swap3A_281 = arith.constant 29 : i32
      %swap3A_282 = arith.index_cast %swap3A_281 : i32 to index
      %swap3A_283 = arith.index_cast %add3A_73 : i32 to index
      %swap3A_284 = tpu.vector_load %arg7[%swap3A_282, %swap3A_283] {strides = array<i32>} : memref<32x512xf32, #tpu.memory_space<vmem>>, vector<16xf32>,
      tpu.vector_store %arg7[%swap3A_282, %swap3A_283], %gather3A_280 {strides = array<i32>} : memref<32x512xf32, #tpu.memory_space<vmem>>, vector<16xf32>,
      %broadcast_in_dim3A_285 = arith.constant 30 : i32
      %broadcast_in_dim3A_286 = vector.broadcast %broadcast_in_dim3A_285 : i32 to vector<16xi32>
      %gather3A_287 = tpu.vector_load_idx %arg5[%broadcast_in_dim3A_286, %gather3A] : memref<32x1000xf32, #tpu.memory_space<vmem>>[vector<16xi32>, vector<16xi32>], vector<16xf32>,
      %swap3A_288 = arith.constant 30 : i32
      %swap3A_289 = arith.index_cast %swap3A_288 : i32 to index
      %swap3A_290 = arith.index_cast %add3A_73 : i32 to index
      %swap3A_291 = tpu.vector_load %arg7[%swap3A_289, %swap3A_290] {strides = array<i32>} : memref<32x512xf32, #tpu.memory_space<vmem>>, vector<16xf32>,
      tpu.vector_store %arg7[%swap3A_289, %swap3A_290], %gather3A_287 {strides = array<i32>} : memref<32x512xf32, #tpu.memory_space<vmem>>, vector<16xf32>,
      %broadcast_in_dim3A_292 = arith.constant 31 : i32
      %broadcast_in_dim3A_293 = vector.broadcast %broadcast_in_dim3A_292 : i32 to vector<16xi32>
      %gather3A_294 = tpu.vector_load_idx %arg5[%broadcast_in_dim3A_293, %gather3A] : memref<32x1000xf32, #tpu.memory_space<vmem>>[vector<16xi32>, vector<16xi32>], vector<16xf32>,
      %swap3A_295 = arith.constant 31 : i32
      %swap3A_296 = arith.index_cast %swap3A_295 : i32 to index
      %swap3A_297 = arith.index_cast %add3A_73 : i32 to index
      %swap3A_298 = tpu.vector_load %arg7[%swap3A_296, %swap3A_297] {strides = array<i32>} : memref<32x512xf32, #tpu.memory_space<vmem>>, vector<16xf32>,
      tpu.vector_store %arg7[%swap3A_296, %swap3A_297], %gather3A_294 {strides = array<i32>} : memref<32x512xf32, #tpu.memory_space<vmem>>, vector<16xf32>,
      %mul3A_299 = arith.constant 2 : i32
      %mul3A_300 = arith.muli %scan3A_65, %mul3A_299 : i32
      %add3A_301 = arith.constant 1 : i32
      %add3A_302 = arith.addi %mul3A_300, %add3A_301 : i32
      %mul3A_303 = arith.constant 16 : i32
      %mul3A_304 = arith.muli %add3A_302, %mul3A_303 : i32
      %add3A_305 = arith.constant 256 : i32
      %add3A_306 = arith.addi %add3A_305, %mul3A_304 : i32
      %add3A_307 = vector.broadcast %add3A_306 : i32 to vector<16xi32>
      %add3A_308 = arith.addi %iota3A, %add3A_307 : vector<16xi32>
      %gather3A_309 = tpu.vector_load_idx %arg6[%broadcast_in_dim3A_9, %add3A_308] : memref<1x512xi32, #tpu.memory_space<vmem>>[vector<16xi32>, vector<16xi32>], vector<16xi32>,
      %broadcast_in_dim3A_310 = arith.constant 0 : i32
      %broadcast_in_dim3A_311 = vector.broadcast %broadcast_in_dim3A_310 : i32 to vector<16xi32>
      %gather3A_312 = tpu.vector_load_idx %arg5[%broadcast_in_dim3A_311, %gather3A_309] : memref<32x1000xf32, #tpu.memory_space<vmem>>[vector<16xi32>, vector<16xi32>], vector<16xf32>,
      %swap3A_313 = arith.constant 0 : i32
      %swap3A_314 = arith.index_cast %swap3A_313 : i32 to index
      %swap3A_315 = arith.index_cast %add3A_306 : i32 to index
      %swap3A_316 = tpu.vector_load %arg7[%swap3A_314, %swap3A_315] {strides = array<i32>} : memref<32x512xf32, #tpu.memory_space<vmem>>, vector<16xf32>,
      tpu.vector_store %arg7[%swap3A_314, %swap3A_315], %gather3A_312 {strides = array<i32>} : memref<32x512xf32, #tpu.memory_space<vmem>>, vector<16xf32>,
      %broadcast_in_dim3A_317 = arith.constant 1 : i32
      %broadcast_in_dim3A_318 = vector.broadcast %broadcast_in_dim3A_317 : i32 to vector<16xi32>
      %gather3A_319 = tpu.vector_load_idx %arg5[%broadcast_in_dim3A_318, %gather3A_309] : memref<32x1000xf32, #tpu.memory_space<vmem>>[vector<16xi32>, vector<16xi32>], vector<16xf32>,
      %swap3A_320 = arith.constant 1 : i32
      %swap3A_321 = arith.index_cast %swap3A_320 : i32 to index
      %swap3A_322 = arith.index_cast %add3A_306 : i32 to index
      %swap3A_323 = tpu.vector_load %arg7[%swap3A_321, %swap3A_322] {strides = array<i32>} : memref<32x512xf32, #tpu.memory_space<vmem>>, vector<16xf32>,
      tpu.vector_store %arg7[%swap3A_321, %swap3A_322], %gather3A_319 {strides = array<i32>} : memref<32x512xf32, #tpu.memory_space<vmem>>, vector<16xf32>,
      %broadcast_in_dim3A_324 = arith.constant 2 : i32
      %broadcast_in_dim3A_325 = vector.broadcast %broadcast_in_dim3A_324 : i32 to vector<16xi32>
      %gather3A_326 = tpu.vector_load_idx %arg5[%broadcast_in_dim3A_325, %gather3A_309] : memref<32x1000xf32, #tpu.memory_space<vmem>>[vector<16xi32>, vector<16xi32>], vector<16xf32>,
      %swap3A_327 = arith.constant 2 : i32
      %swap3A_328 = arith.index_cast %swap3A_327 : i32 to index
      %swap3A_329 = arith.index_cast %add3A_306 : i32 to index
      %swap3A_330 = tpu.vector_load %arg7[%swap3A_328, %swap3A_329] {strides = array<i32>} : memref<32x512xf32, #tpu.memory_space<vmem>>, vector<16xf32>,
      tpu.vector_store %arg7[%swap3A_328, %swap3A_329], %gather3A_326 {strides = array<i32>} : memref<32x512xf32, #tpu.memory_space<vmem>>, vector<16xf32>,
      %broadcast_in_dim3A_331 = arith.constant 3 : i32
      %broadcast_in_dim3A_332 = vector.broadcast %broadcast_in_dim3A_331 : i32 to vector<16xi32>
      %gather3A_333 = tpu.vector_load_idx %arg5[%broadcast_in_dim3A_332, %gather3A_309] : memref<32x1000xf32, #tpu.memory_space<vmem>>[vector<16xi32>, vector<16xi32>], vector<16xf32>,
      %swap3A_334 = arith.constant 3 : i32
      %swap3A_335 = arith.index_cast %swap3A_334 : i32 to index
      %swap3A_336 = arith.index_cast %add3A_306 : i32 to index
      %swap3A_337 = tpu.vector_load %arg7[%swap3A_335, %swap3A_336] {strides = array<i32>} : memref<32x512xf32, #tpu.memory_space<vmem>>, vector<16xf32>,
      tpu.vector_store %arg7[%swap3A_335, %swap3A_336], %gather3A_333 {strides = array<i32>} : memref<32x512xf32, #tpu.memory_space<vmem>>, vector<16xf32>,
      %broadcast_in_dim3A_338 = arith.constant 4 : i32
      %broadcast_in_dim3A_339 = vector.broadcast %broadcast_in_dim3A_338 : i32 to vector<16xi32>
      %gather3A_340 = tpu.vector_load_idx %arg5[%broadcast_in_dim3A_339, %gather3A_309] : memref<32x1000xf32, #tpu.memory_space<vmem>>[vector<16xi32>, vector<16xi32>], vector<16xf32>,
      %swap3A_341 = arith.constant 4 : i32
      %swap3A_342 = arith.index_cast %swap3A_341 : i32 to index
      %swap3A_343 = arith.index_cast %add3A_306 : i32 to index
      %swap3A_344 = tpu.vector_load %arg7[%swap3A_342, %swap3A_343] {strides = array<i32>} : memref<32x512xf32, #tpu.memory_space<vmem>>, vector<16xf32>,
      tpu.vector_store %arg7[%swap3A_342, %swap3A_343], %gather3A_340 {strides = array<i32>} : memref<32x512xf32, #tpu.memory_space<vmem>>, vector<16xf32>,
      %broadcast_in_dim3A_345 = arith.constant 5 : i32
      %broadcast_in_dim3A_346 = vector.broadcast %broadcast_in_dim3A_345 : i32 to vector<16xi32>
      %gather3A_347 = tpu.vector_load_idx %arg5[%broadcast_in_dim3A_346, %gather3A_309] : memref<32x1000xf32, #tpu.memory_space<vmem>>[vector<16xi32>, vector<16xi32>], vector<16xf32>,
      %swap3A_348 = arith.constant 5 : i32
      %swap3A_349 = arith.index_cast %swap3A_348 : i32 to index
      %swap3A_350 = arith.index_cast %add3A_306 : i32 to index
      %swap3A_351 = tpu.vector_load %arg7[%swap3A_349, %swap3A_350] {strides = array<i32>} : memref<32x512xf32, #tpu.memory_space<vmem>>, vector<16xf32>,
      tpu.vector_store %arg7[%swap3A_349, %swap3A_350], %gather3A_347 {strides = array<i32>} : memref<32x512xf32, #tpu.memory_space<vmem>>, vector<16xf32>,
      %broadcast_in_dim3A_352 = arith.constant 6 : i32
      %broadcast_in_dim3A_353 = vector.broadcast %broadcast_in_dim3A_352 : i32 to vector<16xi32>
      %gather3A_354 = tpu.vector_load_idx %arg5[%broadcast_in_dim3A_353, %gather3A_309] : memref<32x1000xf32, #tpu.memory_space<vmem>>[vector<16xi32>, vector<16xi32>], vector<16xf32>,
      %swap3A_355 = arith.constant 6 : i32
      %swap3A_356 = arith.index_cast %swap3A_355 : i32 to index
      %swap3A_357 = arith.index_cast %add3A_306 : i32 to index
      %swap3A_358 = tpu.vector_load %arg7[%swap3A_356, %swap3A_357] {strides = array<i32>} : memref<32x512xf32, #tpu.memory_space<vmem>>, vector<16xf32>,
      tpu.vector_store %arg7[%swap3A_356, %swap3A_357], %gather3A_354 {strides = array<i32>} : memref<32x512xf32, #tpu.memory_space<vmem>>, vector<16xf32>,
      %broadcast_in_dim3A_359 = arith.constant 7 : i32
      %broadcast_in_dim3A_360 = vector.broadcast %broadcast_in_dim3A_359 : i32 to vector<16xi32>
      %gather3A_361 = tpu.vector_load_idx %arg5[%broadcast_in_dim3A_360, %gather3A_309] : memref<32x1000xf32, #tpu.memory_space<vmem>>[vector<16xi32>, vector<16xi32>], vector<16xf32>,
      %swap3A_362 = arith.constant 7 : i32
      %swap3A_363 = arith.index_cast %swap3A_362 : i32 to index
      %swap3A_364 = arith.index_cast %add3A_306 : i32 to index
      %swap3A_365 = tpu.vector_load %arg7[%swap3A_363, %swap3A_364] {strides = array<i32>} : memref<32x512xf32, #tpu.memory_space<vmem>>, vector<16xf32>,
      tpu.vector_store %arg7[%swap3A_363, %swap3A_364], %gather3A_361 {strides = array<i32>} : memref<32x512xf32, #tpu.memory_space<vmem>>, vector<16xf32>,
      %broadcast_in_dim3A_366 = arith.constant 8 : i32
      %broadcast_in_dim3A_367 = vector.broadcast %broadcast_in_dim3A_366 : i32 to vector<16xi32>
      %gather3A_368 = tpu.vector_load_idx %arg5[%broadcast_in_dim3A_367, %gather3A_309] : memref<32x1000xf32, #tpu.memory_space<vmem>>[vector<16xi32>, vector<16xi32>], vector<16xf32>,
      %swap3A_369 = arith.constant 8 : i32
      %swap3A_370 = arith.index_cast %swap3A_369 : i32 to index
      %swap3A_371 = arith.index_cast %add3A_306 : i32 to index
      %swap3A_372 = tpu.vector_load %arg7[%swap3A_370, %swap3A_371] {strides = array<i32>} : memref<32x512xf32, #tpu.memory_space<vmem>>, vector<16xf32>,
      tpu.vector_store %arg7[%swap3A_370, %swap3A_371], %gather3A_368 {strides = array<i32>} : memref<32x512xf32, #tpu.memory_space<vmem>>, vector<16xf32>,
      %broadcast_in_dim3A_373 = arith.constant 9 : i32
      %broadcast_in_dim3A_374 = vector.broadcast %broadcast_in_dim3A_373 : i32 to vector<16xi32>
      %gather3A_375 = tpu.vector_load_idx %arg5[%broadcast_in_dim3A_374, %gather3A_309] : memref<32x1000xf32, #tpu.memory_space<vmem>>[vector<16xi32>, vector<16xi32>], vector<16xf32>,
      %swap3A_376 = arith.constant 9 : i32
      %swap3A_377 = arith.index_cast %swap3A_376 : i32 to index
      %swap3A_378 = arith.index_cast %add3A_306 : i32 to index
      %swap3A_379 = tpu.vector_load %arg7[%swap3A_377, %swap3A_378] {strides = array<i32>} : memref<32x512xf32, #tpu.memory_space<vmem>>, vector<16xf32>,
      tpu.vector_store %arg7[%swap3A_377, %swap3A_378], %gather3A_375 {strides = array<i32>} : memref<32x512xf32, #tpu.memory_space<vmem>>, vector<16xf32>,
      %broadcast_in_dim3A_380 = arith.constant 10 : i32
      %broadcast_in_dim3A_381 = vector.broadcast %broadcast_in_dim3A_380 : i32 to vector<16xi32>
      %gather3A_382 = tpu.vector_load_idx %arg5[%broadcast_in_dim3A_381, %gather3A_309] : memref<32x1000xf32, #tpu.memory_space<vmem>>[vector<16xi32>, vector<16xi32>], vector<16xf32>,
      %swap3A_383 = arith.constant 10 : i32
      %swap3A_384 = arith.index_cast %swap3A_383 : i32 to index
      %swap3A_385 = arith.index_cast %add3A_306 : i32 to index
      %swap3A_386 = tpu.vector_load %arg7[%swap3A_384, %swap3A_385] {strides = array<i32>} : memref<32x512xf32, #tpu.memory_space<vmem>>, vector<16xf32>,
      tpu.vector_store %arg7[%swap3A_384, %swap3A_385], %gather3A_382 {strides = array<i32>} : memref<32x512xf32, #tpu.memory_space<vmem>>, vector<16xf32>,
      %broadcast_in_dim3A_387 = arith.constant 11 : i32
      %broadcast_in_dim3A_388 = vector.broadcast %broadcast_in_dim3A_387 : i32 to vector<16xi32>
      %gather3A_389 = tpu.vector_load_idx %arg5[%broadcast_in_dim3A_388, %gather3A_309] : memref<32x1000xf32, #tpu.memory_space<vmem>>[vector<16xi32>, vector<16xi32>], vector<16xf32>,
      %swap3A_390 = arith.constant 11 : i32
      %swap3A_391 = arith.index_cast %swap3A_390 : i32 to index
      %swap3A_392 = arith.index_cast %add3A_306 : i32 to index
      %swap3A_393 = tpu.vector_load %arg7[%swap3A_391, %swap3A_392] {strides = array<i32>} : memref<32x512xf32, #tpu.memory_space<vmem>>, vector<16xf32>,
      tpu.vector_store %arg7[%swap3A_391, %swap3A_392], %gather3A_389 {strides = array<i32>} : memref<32x512xf32, #tpu.memory_space<vmem>>, vector<16xf32>,
      %broadcast_in_dim3A_394 = arith.constant 12 : i32
      %broadcast_in_dim3A_395 = vector.broadcast %broadcast_in_dim3A_394 : i32 to vector<16xi32>
      %gather3A_396 = tpu.vector_load_idx %arg5[%broadcast_in_dim3A_395, %gather3A_309] : memref<32x1000xf32, #tpu.memory_space<vmem>>[vector<16xi32>, vector<16xi32>], vector<16xf32>,
      %swap3A_397 = arith.constant 12 : i32
      %swap3A_398 = arith.index_cast %swap3A_397 : i32 to index
      %swap3A_399 = arith.index_cast %add3A_306 : i32 to index
      %swap3A_400 = tpu.vector_load %arg7[%swap3A_398, %swap3A_399] {strides = array<i32>} : memref<32x512xf32, #tpu.memory_space<vmem>>, vector<16xf32>,
      tpu.vector_store %arg7[%swap3A_398, %swap3A_399], %gather3A_396 {strides = array<i32>} : memref<32x512xf32, #tpu.memory_space<vmem>>, vector<16xf32>,
      %broadcast_in_dim3A_401 = arith.constant 13 : i32
      %broadcast_in_dim3A_402 = vector.broadcast %broadcast_in_dim3A_401 : i32 to vector<16xi32>
      %gather3A_403 = tpu.vector_load_idx %arg5[%broadcast_in_dim3A_402, %gather3A_309] : memref<32x1000xf32, #tpu.memory_space<vmem>>[vector<16xi32>, vector<16xi32>], vector<16xf32>,
      %swap3A_404 = arith.constant 13 : i32
      %swap3A_405 = arith.index_cast %swap3A_404 : i32 to index
      %swap3A_406 = arith.index_cast %add3A_306 : i32 to index
      %swap3A_407 = tpu.vector_load %arg7[%swap3A_405, %swap3A_406] {strides = array<i32>} : memref<32x512xf32, #tpu.memory_space<vmem>>, vector<16xf32>,
      tpu.vector_store %arg7[%swap3A_405, %swap3A_406], %gather3A_403 {strides = array<i32>} : memref<32x512xf32, #tpu.memory_space<vmem>>, vector<16xf32>,
      %broadcast_in_dim3A_408 = arith.constant 14 : i32
      %broadcast_in_dim3A_409 = vector.broadcast %broadcast_in_dim3A_408 : i32 to vector<16xi32>
      %gather3A_410 = tpu.vector_load_idx %arg5[%broadcast_in_dim3A_409, %gather3A_309] : memref<32x1000xf32, #tpu.memory_space<vmem>>[vector<16xi32>, vector<16xi32>], vector<16xf32>,
      %swap3A_411 = arith.constant 14 : i32
      %swap3A_412 = arith.index_cast %swap3A_411 : i32 to index
      %swap3A_413 = arith.index_cast %add3A_306 : i32 to index
      %swap3A_414 = tpu.vector_load %arg7[%swap3A_412, %swap3A_413] {strides = array<i32>} : memref<32x512xf32, #tpu.memory_space<vmem>>, vector<16xf32>,
      tpu.vector_store %arg7[%swap3A_412, %swap3A_413], %gather3A_410 {strides = array<i32>} : memref<32x512xf32, #tpu.memory_space<vmem>>, vector<16xf32>,
      %broadcast_in_dim3A_415 = arith.constant 15 : i32
      %broadcast_in_dim3A_416 = vector.broadcast %broadcast_in_dim3A_415 : i32 to vector<16xi32>
      %gather3A_417 = tpu.vector_load_idx %arg5[%broadcast_in_dim3A_416, %gather3A_309] : memref<32x1000xf32, #tpu.memory_space<vmem>>[vector<16xi32>, vector<16xi32>], vector<16xf32>,
      %swap3A_418 = arith.constant 15 : i32
      %swap3A_419 = arith.index_cast %swap3A_418 : i32 to index
      %swap3A_420 = arith.index_cast %add3A_306 : i32 to index
      %swap3A_421 = tpu.vector_load %arg7[%swap3A_419, %swap3A_420] {strides = array<i32>} : memref<32x512xf32, #tpu.memory_space<vmem>>, vector<16xf32>,
      tpu.vector_store %arg7[%swap3A_419, %swap3A_420], %gather3A_417 {strides = array<i32>} : memref<32x512xf32, #tpu.memory_space<vmem>>, vector<16xf32>,
      %broadcast_in_dim3A_422 = arith.constant 16 : i32
      %broadcast_in_dim3A_423 = vector.broadcast %broadcast_in_dim3A_422 : i32 to vector<16xi32>
      %gather3A_424 = tpu.vector_load_idx %arg5[%broadcast_in_dim3A_423, %gather3A_309] : memref<32x1000xf32, #tpu.memory_space<vmem>>[vector<16xi32>, vector<16xi32>], vector<16xf32>,
      %swap3A_425 = arith.constant 16 : i32
      %swap3A_426 = arith.index_cast %swap3A_425 : i32 to index
      %swap3A_427 = arith.index_cast %add3A_306 : i32 to index
      %swap3A_428 = tpu.vector_load %arg7[%swap3A_426, %swap3A_427] {strides = array<i32>} : memref<32x512xf32, #tpu.memory_space<vmem>>, vector<16xf32>,
      tpu.vector_store %arg7[%swap3A_426, %swap3A_427], %gather3A_424 {strides = array<i32>} : memref<32x512xf32, #tpu.memory_space<vmem>>, vector<16xf32>,
      %broadcast_in_dim3A_429 = arith.constant 17 : i32
      %broadcast_in_dim3A_430 = vector.broadcast %broadcast_in_dim3A_429 : i32 to vector<16xi32>
      %gather3A_431 = tpu.vector_load_idx %arg5[%broadcast_in_dim3A_430, %gather3A_309] : memref<32x1000xf32, #tpu.memory_space<vmem>>[vector<16xi32>, vector<16xi32>], vector<16xf32>,
      %swap3A_432 = arith.constant 17 : i32
      %swap3A_433 = arith.index_cast %swap3A_432 : i32 to index
      %swap3A_434 = arith.index_cast %add3A_306 : i32 to index
      %swap3A_435 = tpu.vector_load %arg7[%swap3A_433, %swap3A_434] {strides = array<i32>} : memref<32x512xf32, #tpu.memory_space<vmem>>, vector<16xf32>,
      tpu.vector_store %arg7[%swap3A_433, %swap3A_434], %gather3A_431 {strides = array<i32>} : memref<32x512xf32, #tpu.memory_space<vmem>>, vector<16xf32>,
      %broadcast_in_dim3A_436 = arith.constant 18 : i32
      %broadcast_in_dim3A_437 = vector.broadcast %broadcast_in_dim3A_436 : i32 to vector<16xi32>
      %gather3A_438 = tpu.vector_load_idx %arg5[%broadcast_in_dim3A_437, %gather3A_309] : memref<32x1000xf32, #tpu.memory_space<vmem>>[vector<16xi32>, vector<16xi32>], vector<16xf32>,
      %swap3A_439 = arith.constant 18 : i32
      %swap3A_440 = arith.index_cast %swap3A_439 : i32 to index
      %swap3A_441 = arith.index_cast %add3A_306 : i32 to index
      %swap3A_442 = tpu.vector_load %arg7[%swap3A_440, %swap3A_441] {strides = array<i32>} : memref<32x512xf32, #tpu.memory_space<vmem>>, vector<16xf32>,
      tpu.vector_store %arg7[%swap3A_440, %swap3A_441], %gather3A_438 {strides = array<i32>} : memref<32x512xf32, #tpu.memory_space<vmem>>, vector<16xf32>,
      %broadcast_in_dim3A_443 = arith.constant 19 : i32
      %broadcast_in_dim3A_444 = vector.broadcast %broadcast_in_dim3A_443 : i32 to vector<16xi32>
      %gather3A_445 = tpu.vector_load_idx %arg5[%broadcast_in_dim3A_444, %gather3A_309] : memref<32x1000xf32, #tpu.memory_space<vmem>>[vector<16xi32>, vector<16xi32>], vector<16xf32>,
      %swap3A_446 = arith.constant 19 : i32
      %swap3A_447 = arith.index_cast %swap3A_446 : i32 to index
      %swap3A_448 = arith.index_cast %add3A_306 : i32 to index
      %swap3A_449 = tpu.vector_load %arg7[%swap3A_447, %swap3A_448] {strides = array<i32>} : memref<32x512xf32, #tpu.memory_space<vmem>>, vector<16xf32>,
      tpu.vector_store %arg7[%swap3A_447, %swap3A_448], %gather3A_445 {strides = array<i32>} : memref<32x512xf32, #tpu.memory_space<vmem>>, vector<16xf32>,
      %broadcast_in_dim3A_450 = arith.constant 20 : i32
      %broadcast_in_dim3A_451 = vector.broadcast %broadcast_in_dim3A_450 : i32 to vector<16xi32>
      %gather3A_452 = tpu.vector_load_idx %arg5[%broadcast_in_dim3A_451, %gather3A_309] : memref<32x1000xf32, #tpu.memory_space<vmem>>[vector<16xi32>, vector<16xi32>], vector<16xf32>,
      %swap3A_453 = arith.constant 20 : i32
      %swap3A_454 = arith.index_cast %swap3A_453 : i32 to index
      %swap3A_455 = arith.index_cast %add3A_306 : i32 to index
      %swap3A_456 = tpu.vector_load %arg7[%swap3A_454, %swap3A_455] {strides = array<i32>} : memref<32x512xf32, #tpu.memory_space<vmem>>, vector<16xf32>,
      tpu.vector_store %arg7[%swap3A_454, %swap3A_455], %gather3A_452 {strides = array<i32>} : memref<32x512xf32, #tpu.memory_space<vmem>>, vector<16xf32>,
      %broadcast_in_dim3A_457 = arith.constant 21 : i32
      %broadcast_in_dim3A_458 = vector.broadcast %broadcast_in_dim3A_457 : i32 to vector<16xi32>
      %gather3A_459 = tpu.vector_load_idx %arg5[%broadcast_in_dim3A_458, %gather3A_309] : memref<32x1000xf32, #tpu.memory_space<vmem>>[vector<16xi32>, vector<16xi32>], vector<16xf32>,
      %swap3A_460 = arith.constant 21 : i32
      %swap3A_461 = arith.index_cast %swap3A_460 : i32 to index
      %swap3A_462 = arith.index_cast %add3A_306 : i32 to index
      %swap3A_463 = tpu.vector_load %arg7[%swap3A_461, %swap3A_462] {strides = array<i32>} : memref<32x512xf32, #tpu.memory_space<vmem>>, vector<16xf32>,
      tpu.vector_store %arg7[%swap3A_461, %swap3A_462], %gather3A_459 {strides = array<i32>} : memref<32x512xf32, #tpu.memory_space<vmem>>, vector<16xf32>,
      %broadcast_in_dim3A_464 = arith.constant 22 : i32
      %broadcast_in_dim3A_465 = vector.broadcast %broadcast_in_dim3A_464 : i32 to vector<16xi32>
      %gather3A_466 = tpu.vector_load_idx %arg5[%broadcast_in_dim3A_465, %gather3A_309] : memref<32x1000xf32, #tpu.memory_space<vmem>>[vector<16xi32>, vector<16xi32>], vector<16xf32>,
      %swap3A_467 = arith.constant 22 : i32
      %swap3A_468 = arith.index_cast %swap3A_467 : i32 to index
      %swap3A_469 = arith.index_cast %add3A_306 : i32 to index
      %swap3A_470 = tpu.vector_load %arg7[%swap3A_468, %swap3A_469] {strides = array<i32>} : memref<32x512xf32, #tpu.memory_space<vmem>>, vector<16xf32>,
      tpu.vector_store %arg7[%swap3A_468, %swap3A_469], %gather3A_466 {strides = array<i32>} : memref<32x512xf32, #tpu.memory_space<vmem>>, vector<16xf32>,
      %broadcast_in_dim3A_471 = arith.constant 23 : i32
      %broadcast_in_dim3A_472 = vector.broadcast %broadcast_in_dim3A_471 : i32 to vector<16xi32>
      %gather3A_473 = tpu.vector_load_idx %arg5[%broadcast_in_dim3A_472, %gather3A_309] : memref<32x1000xf32, #tpu.memory_space<vmem>>[vector<16xi32>, vector<16xi32>], vector<16xf32>,
      %swap3A_474 = arith.constant 23 : i32
      %swap3A_475 = arith.index_cast %swap3A_474 : i32 to index
      %swap3A_476 = arith.index_cast %add3A_306 : i32 to index
      %swap3A_477 = tpu.vector_load %arg7[%swap3A_475, %swap3A_476] {strides = array<i32>} : memref<32x512xf32, #tpu.memory_space<vmem>>, vector<16xf32>,
      tpu.vector_store %arg7[%swap3A_475, %swap3A_476], %gather3A_473 {strides = array<i32>} : memref<32x512xf32, #tpu.memory_space<vmem>>, vector<16xf32>,
      %broadcast_in_dim3A_478 = arith.constant 24 : i32
      %broadcast_in_dim3A_479 = vector.broadcast %broadcast_in_dim3A_478 : i32 to vector<16xi32>
      %gather3A_480 = tpu.vector_load_idx %arg5[%broadcast_in_dim3A_479, %gather3A_309] : memref<32x1000xf32, #tpu.memory_space<vmem>>[vector<16xi32>, vector<16xi32>], vector<16xf32>,
      %swap3A_481 = arith.constant 24 : i32
      %swap3A_482 = arith.index_cast %swap3A_481 : i32 to index
      %swap3A_483 = arith.index_cast %add3A_306 : i32 to index
      %swap3A_484 = tpu.vector_load %arg7[%swap3A_482, %swap3A_483] {strides = array<i32>} : memref<32x512xf32, #tpu.memory_space<vmem>>, vector<16xf32>,
      tpu.vector_store %arg7[%swap3A_482, %swap3A_483], %gather3A_480 {strides = array<i32>} : memref<32x512xf32, #tpu.memory_space<vmem>>, vector<16xf32>,
      %broadcast_in_dim3A_485 = arith.constant 25 : i32
      %broadcast_in_dim3A_486 = vector.broadcast %broadcast_in_dim3A_485 : i32 to vector<16xi32>
      %gather3A_487 = tpu.vector_load_idx %arg5[%broadcast_in_dim3A_486, %gather3A_309] : memref<32x1000xf32, #tpu.memory_space<vmem>>[vector<16xi32>, vector<16xi32>], vector<16xf32>,
      %swap3A_488 = arith.constant 25 : i32
      %swap3A_489 = arith.index_cast %swap3A_488 : i32 to index
      %swap3A_490 = arith.index_cast %add3A_306 : i32 to index
      %swap3A_491 = tpu.vector_load %arg7[%swap3A_489, %swap3A_490] {strides = array<i32>} : memref<32x512xf32, #tpu.memory_space<vmem>>, vector<16xf32>,
      tpu.vector_store %arg7[%swap3A_489, %swap3A_490], %gather3A_487 {strides = array<i32>} : memref<32x512xf32, #tpu.memory_space<vmem>>, vector<16xf32>,
      %broadcast_in_dim3A_492 = arith.constant 26 : i32
      %broadcast_in_dim3A_493 = vector.broadcast %broadcast_in_dim3A_492 : i32 to vector<16xi32>
      %gather3A_494 = tpu.vector_load_idx %arg5[%broadcast_in_dim3A_493, %gather3A_309] : memref<32x1000xf32, #tpu.memory_space<vmem>>[vector<16xi32>, vector<16xi32>], vector<16xf32>,
      %swap3A_495 = arith.constant 26 : i32
      %swap3A_496 = arith.index_cast %swap3A_495 : i32 to index
      %swap3A_497 = arith.index_cast %add3A_306 : i32 to index
      %swap3A_498 = tpu.vector_load %arg7[%swap3A_496, %swap3A_497] {strides = array<i32>} : memref<32x512xf32, #tpu.memory_space<vmem>>, vector<16xf32>,
      tpu.vector_store %arg7[%swap3A_496, %swap3A_497], %gather3A_494 {strides = array<i32>} : memref<32x512xf32, #tpu.memory_space<vmem>>, vector<16xf32>,
      %broadcast_in_dim3A_499 = arith.constant 27 : i32
      %broadcast_in_dim3A_500 = vector.broadcast %broadcast_in_dim3A_499 : i32 to vector<16xi32>
      %gather3A_501 = tpu.vector_load_idx %arg5[%broadcast_in_dim3A_500, %gather3A_309] : memref<32x1000xf32, #tpu.memory_space<vmem>>[vector<16xi32>, vector<16xi32>], vector<16xf32>,
      %swap3A_502 = arith.constant 27 : i32
      %swap3A_503 = arith.index_cast %swap3A_502 : i32 to index
      %swap3A_504 = arith.index_cast %add3A_306 : i32 to index
      %swap3A_505 = tpu.vector_load %arg7[%swap3A_503, %swap3A_504] {strides = array<i32>} : memref<32x512xf32, #tpu.memory_space<vmem>>, vector<16xf32>,
      tpu.vector_store %arg7[%swap3A_503, %swap3A_504], %gather3A_501 {strides = array<i32>} : memref<32x512xf32, #tpu.memory_space<vmem>>, vector<16xf32>,
      %broadcast_in_dim3A_506 = arith.constant 28 : i32
      %broadcast_in_dim3A_507 = vector.broadcast %broadcast_in_dim3A_506 : i32 to vector<16xi32>
      %gather3A_508 = tpu.vector_load_idx %arg5[%broadcast_in_dim3A_507, %gather3A_309] : memref<32x1000xf32, #tpu.memory_space<vmem>>[vector<16xi32>, vector<16xi32>], vector<16xf32>,
      %swap3A_509 = arith.constant 28 : i32
      %swap3A_510 = arith.index_cast %swap3A_509 : i32 to index
      %swap3A_511 = arith.index_cast %add3A_306 : i32 to index
      %swap3A_512 = tpu.vector_load %arg7[%swap3A_510, %swap3A_511] {strides = array<i32>} : memref<32x512xf32, #tpu.memory_space<vmem>>, vector<16xf32>,
      tpu.vector_store %arg7[%swap3A_510, %swap3A_511], %gather3A_508 {strides = array<i32>} : memref<32x512xf32, #tpu.memory_space<vmem>>, vector<16xf32>,
      %broadcast_in_dim3A_513 = arith.constant 29 : i32
      %broadcast_in_dim3A_514 = vector.broadcast %broadcast_in_dim3A_513 : i32 to vector<16xi32>
      %gather3A_515 = tpu.vector_load_idx %arg5[%broadcast_in_dim3A_514, %gather3A_309] : memref<32x1000xf32, #tpu.memory_space<vmem>>[vector<16xi32>, vector<16xi32>], vector<16xf32>,
      %swap3A_516 = arith.constant 29 : i32
      %swap3A_517 = arith.index_cast %swap3A_516 : i32 to index
      %swap3A_518 = arith.index_cast %add3A_306 : i32 to index
      %swap3A_519 = tpu.vector_load %arg7[%swap3A_517, %swap3A_518] {strides = array<i32>} : memref<32x512xf32, #tpu.memory_space<vmem>>, vector<16xf32>,
      tpu.vector_store %arg7[%swap3A_517, %swap3A_518], %gather3A_515 {strides = array<i32>} : memref<32x512xf32, #tpu.memory_space<vmem>>, vector<16xf32>,
      %broadcast_in_dim3A_520 = arith.constant 30 : i32
      %broadcast_in_dim3A_521 = vector.broadcast %broadcast_in_dim3A_520 : i32 to vector<16xi32>
      %gather3A_522 = tpu.vector_load_idx %arg5[%broadcast_in_dim3A_521, %gather3A_309] : memref<32x1000xf32, #tpu.memory_space<vmem>>[vector<16xi32>, vector<16xi32>], vector<16xf32>,
      %swap3A_523 = arith.constant 30 : i32
      %swap3A_524 = arith.index_cast %swap3A_523 : i32 to index
      %swap3A_525 = arith.index_cast %add3A_306 : i32 to index
      %swap3A_526 = tpu.vector_load %arg7[%swap3A_524, %swap3A_525] {strides = array<i32>} : memref<32x512xf32, #tpu.memory_space<vmem>>, vector<16xf32>,
      tpu.vector_store %arg7[%swap3A_524, %swap3A_525], %gather3A_522 {strides = array<i32>} : memref<32x512xf32, #tpu.memory_space<vmem>>, vector<16xf32>,
      %broadcast_in_dim3A_527 = arith.constant 31 : i32
      %broadcast_in_dim3A_528 = vector.broadcast %broadcast_in_dim3A_527 : i32 to vector<16xi32>
      %gather3A_529 = tpu.vector_load_idx %arg5[%broadcast_in_dim3A_528, %gather3A_309] : memref<32x1000xf32, #tpu.memory_space<vmem>>[vector<16xi32>, vector<16xi32>], vector<16xf32>,
      %swap3A_530 = arith.constant 31 : i32
      %swap3A_531 = arith.index_cast %swap3A_530 : i32 to index
      %swap3A_532 = arith.index_cast %add3A_306 : i32 to index
      %swap3A_533 = tpu.vector_load %arg7[%swap3A_531, %swap3A_532] {strides = array<i32>} : memref<32x512xf32, #tpu.memory_space<vmem>>, vector<16xf32>,
      tpu.vector_store %arg7[%swap3A_531, %swap3A_532], %gather3A_529 {strides = array<i32>} : memref<32x512xf32, #tpu.memory_space<vmem>>, vector<16xf32>,
    }
    %scan3A_32 = arith.constant 8 : i32
    %add3A_33 = arith.constant 256 : i32
    %add3A_34 = arith.addi %mul3A_2, %add3A_33 : i32
    %dma_start3A_35 = arith.constant 0 : i32
    %dma_start3A_36 = arith.constant 256 : i32
    %dma_start3A_37 = tpu.memref_slice %arg7[%dma_start3A_35, %dma_start3A_36] : memref<32x512xf32, #tpu.memory_space<vmem>> -> memref<32x256xf32, #tpu.memory_space<vmem>>
    %dma_start3A_38 = arith.constant 0 : i32
    %dma_start3A_39 = tpu.memref_slice %arg4[%dma_start3A_38, %add3A_34] : memref<32x16384xf32, #tpu.memory_space<hbm>> -> memref<32x256xf32, #tpu.memory_space<hbm>>
    %dma_start3A_40 = arith.constant 0 : i32
    %dma_start3A_41 = tpu.memref_slice %arg4[%dma_start3A_40, %add3A_34] : memref<32x16384xf32, #tpu.memory_space<hbm>> -> memref<32x256xf32, #tpu.memory_space<hbm>>
    %dma_start3A_42 = arith.constant 0 : i32
    %dma_start3A_43 = arith.constant 256 : i32
    %dma_start3A_44 = tpu.memref_slice %arg7[%dma_start3A_42, %dma_start3A_43] : memref<32x512xf32, #tpu.memory_space<vmem>> -> memref<32x256xf32, #tpu.memory_space<vmem>>
    tpu.enqueue_dma source(%dma_start3A_44 : memref<32x256xf32, #tpu.memory_space<vmem>>) target(%dma_start3A_41 : memref<32x256xf32, #tpu.memory_space<hbm>>) target_semaphore(%arg10 : memref<!tpu.dma_semaphore, #tpu.memory_space<semaphore_mem>>)
    %dma_wait3A_45 = arith.constant 0 : i32
    %dma_wait3A_46 = arith.constant 0 : i32
    %dma_wait3A_47 = tpu.memref_slice %arg7[%dma_wait3A_45, %dma_wait3A_46] : memref<32x512xf32, #tpu.memory_space<vmem>> -> memref<32x256xf32, #tpu.memory_space<vmem>>
    %dma_wait3A_48 = arith.constant 0 : i32
    %dma_wait3A_49 = tpu.memref_slice %arg4[%dma_wait3A_48, %add3A_16] : memref<32x16384xf32, #tpu.memory_space<hbm>> -> memref<32x256xf32, #tpu.memory_space<hbm>>
    %dma_wait3A_50 = arith.constant 0 : i32
    %dma_wait3A_51 = tpu.memref_slice %arg4[%dma_wait3A_50, %add3A_16] : memref<32x16384xf32, #tpu.memory_space<hbm>> -> memref<32x256xf32, #tpu.memory_space<hbm>>
    %dma_wait3A_52 = arith.constant 0 : i32
    %dma_wait3A_53 = arith.constant 0 : i32
    %dma_wait3A_54 = tpu.memref_slice %arg7[%dma_wait3A_52, %dma_wait3A_53] : memref<32x512xf32, #tpu.memory_space<vmem>> -> memref<32x256xf32, #tpu.memory_space<vmem>>
    tpu.wait_dma2 semaphore(%arg10 : memref<!tpu.dma_semaphore, #tpu.memory_space<semaphore_mem>>) src(%dma_wait3A_54 : memref<32x256xf32, #tpu.memory_space<vmem>>) dst(%dma_wait3A_51 : memref<32x256xf32, #tpu.memory_space<hbm>>)
    %dma_wait3A_55 = arith.constant 0 : i32
    %dma_wait3A_56 = arith.constant 256 : i32
    %dma_wait3A_57 = tpu.memref_slice %arg7[%dma_wait3A_55, %dma_wait3A_56] : memref<32x512xf32, #tpu.memory_space<vmem>> -> memref<32x256xf32, #tpu.memory_space<vmem>>
    %dma_wait3A_58 = arith.constant 0 : i32
    %dma_wait3A_59 = tpu.memref_slice %arg4[%dma_wait3A_58, %add3A_34] : memref<32x16384xf32, #tpu.memory_space<hbm>> -> memref<32x256xf32, #tpu.memory_space<hbm>>
    %dma_wait3A_60 = arith.constant 0 : i32
    %dma_wait3A_61 = tpu.memref_slice %arg4[%dma_wait3A_60, %add3A_34] : memref<32x16384xf32, #tpu.memory_space<hbm>> -> memref<32x256xf32, #tpu.memory_space<hbm>>
    %dma_wait3A_62 = arith.constant 0 : i32
    %dma_wait3A_63 = arith.constant 256 : i32
    %dma_wait3A_64 = tpu.memref_slice %arg7[%dma_wait3A_62, %dma_wait3A_63] : memref<32x512xf32, #tpu.memory_space<vmem>> -> memref<32x256xf32, #tpu.memory_space<vmem>>
    tpu.wait_dma2 semaphore(%arg10 : memref<!tpu.dma_semaphore, #tpu.memory_space<semaphore_mem>>) src(%dma_wait3A_64 : memref<32x256xf32, #tpu.memory_space<vmem>>) dst(%dma_wait3A_61 : memref<32x256xf32, #tpu.memory_space<hbm>>)
    return
  }
}

</mosaic_0001>

<sc_bundles>
// kernel: kernel.3.cloned.1.call-start
scs
__scs_entry_jumppad:
0x0: {  	(pc) =	sbr.rel $0x88, $3  }
0x1: {  	(tag) =	ssettag $0x0;
	lr =	simm.s32 $0x1  }
0x2: {  	[smem:$0x3F9F] =	sst lr;
	_ =	strace $0xD0000000  }
0x3: {  	_ = 	snop  }
0x4: {  	_ = 	snop  }
0x5: {  	_ = 	snop  }
0x6: {  	_ = 	snop  }
0x7: {  	_ = 	snop  }
__scs_overlays_trampoline_lowered:
0x8: {  	[smem:$0x3FAE] =	sst s0  }
0x9: {  	[smem:$0x3FAF] =	sst s1  }
0xa: {  	[smem:$0x3FB0] =	sst s2  }
0xb: {  	[smem:$0x3FB1] =	sst s3  }
0xc: {  	[smem:$0x3FB2] =	sst s4  }
0xd: {  	[smem:$0x3FB3] =	sst s5  }
0xe: {  	[smem:$0x3FB4] =	sst s6  }
0xf: {  	[smem:$0x3FB5] =	sst s7  }
0x10: {  	[smem:$0x3FB6] =	sst s8  }
0x11: {  	[smem:$0x3FB7] =	sst s9;
	s0 =	simm.s32 @!p0 $0x0  }
0x12: {  	s1 =	sld [smem:$0x3F9D];
	s0 =	simm.s32 @p0 $0x1  }
0x13: {  	[smem:$0x3FB8] =	sst s0;
	s0 =	simm.s32 @!p1 $0x0  }
0x14: {  	s2 =	sld [smem:$0x3F9C];
	s0 =	simm.s32 @p1 $0x1  }
0x15: {  	[smem:$0x3FB9] =	sst s0;
	s0 =	simm.s32 @!p2 $0x0  }
0x16: {  	s3 =	sld [smem:$0x3FDB];
	s0 =	simm.s32 @p2 $0x1  }
0x17: {  	s4 =	simm.s32 $0x1BF5;
	[smem:$0x3FBB] =	sst s0  }
0x18: {  	s0 =	sld [smem:$0x3F9E];
	_ =	swait.ge [sflag:s4], $0x0  }
0x19: {  	s7 =	sld [smem:$0x3F9F]  }
0x1a: {  	s8 =	sadd.s32 $0xFFFFE003, lr  }
0x1b: {  	s9 =	sadd.s32 $0xFFFFFEF7, lr;
	s5 =	simm.s32 $0xFFFFFFFF;
	p2 =	slt.u32 s8, $0xFFFFF086  }
0x1c: {  	p1 =	slt.u32 s9, $0xF7A;
	s5 =	simm.s32 @!p2 $0x0  }
0x1d: {  	s5 =	simm.s32 @p1 $0x1;
	p0 =	seq.s32 s7, s2  }
0x1e: {  	s7 =	smul.u32 @!p0 $0xF7A, s2;
	p2 =	seq.s32 @!p0 s5, $0x0  }
0x1f: {  	s9 =	smul.u32 $0xF7A, s1;
	s8 =	simm.s32 @!p0 $0x1BF5;
	p2 =	por !p2, p0  }
0x20: {  	[sflag:s8] =	ssyncset.s32 @!p0 $0xFFFFF086;
	s6 =	sadd.s32 @!p0 s3, s7;
	s7 =	simm.s32 @!p0 $0x108  }
0x21: {  	s3 =	sadd.s32 s3, s9;
	s6 =	sadd.s32 @!p0 $0x88, s6;
	s7 =	simm.s32 @p2 $0x1082  }
0x22: {  	[simem:s7], [sflag:s8] =	dma.local @!p0 [hbm:s6], $0xF7A  }
0x23: {  	s9 =	sor.u32 $0xD0000000, s2;
	s6 =	simm.s32 $0x108;
	_ =	swait.ge @!p0 [sflag:s8], $0x0  }
0x24: {  	s3 =	sadd.s32 $0x88, s3;
	s6 =	simm.s32 @!p1 $0x1082;
	[sflag:s4] =	ssyncset.s32 $0xFFFFF086  }
0x25: {  	[simem:s6], [sflag:s4] =	dma.local [hbm:s3], $0xF7A  }
0x26: {  	[smem:$0x3F9F] =	sst s1;
	(tag) =	ssettag s2;
	_ =	strace s9  }
0x27: {  	s1 =	sld [smem:$0x3FAF]  }
0x28: {  	s2 =	sld [smem:$0x3FB0]  }
0x29: {  	s4 =	sld [smem:$0x3FB2]  }
0x2a: {  	p0 =	seq.s32 s5, $0x0;
	s5 =	sld [smem:$0x3FB3]  }
0x2b: {  	s6 =	sld [smem:$0x3FB4]  }
0x2c: {  	s7 =	sld [smem:$0x3FB5]  }
0x2d: {  	s3 =	simm.s32 $0x108;
	s8 =	sld [smem:$0x3FB6]  }
0x2e: {  	s3 =	simm.s32 @!p0 $0x1082;
	s9 =	sld [smem:$0x3FB7]  }
0x2f: {  	lr =	sadd.s32 s0, s3;
	s0 =	sld [smem:$0x3FAE]  }
0x30: {  	s3 =	sld [smem:$0x3FB1]  }
0x31: {  	[smem:$0x3FBA] =	sst s10  }
0x32: {  	s10 =	sld [smem:$0x3FB8];
	_ =	sdelay $0x3  }
0x33: {  	p0 =	seq.s32 s10, $0x1;
	s10 =	sld [smem:$0x3FBA];
	_ =	sdelay $0x3  }
0x34: {  	[smem:$0x3FBA] =	sst s10  }
0x35: {  	s10 =	sld [smem:$0x3FB9];
	_ =	sdelay $0x3  }
0x36: {  	p1 =	seq.s32 s10, $0x1;
	s10 =	sld [smem:$0x3FBA];
	_ =	sdelay $0x3  }
0x37: {  	[smem:$0x3FBA] =	sst s10  }
0x38: {  	s10 =	sld [smem:$0x3FBB]  }
0x39: {  	_ = 	snop;
	(pc) =	sbr.ind lr, $3  }
0x3a: {  	_ = 	snop  }
0x3b: {  	_ = 	snop  }
0x3c: {  	p2 =	seq.s32 s10, $0x1;
	s10 =	sld [smem:$0x3FBA]  }
0x3d: {  	_ =	shalt  }
0x3e: {  	_ =	shalt  }
0x3f: {  	_ =	shalt  }
0x40: {  	_ =	shalt  }
0x41: {  	_ =	shalt  }
0x42: {  	_ =	shalt  }
0x43: {  	_ =	shalt  }
0x44: {  	_ =	shalt  }
0x45: {  	_ =	shalt  }
0x46: {  	_ =	shalt  }
0x47: {  	_ =	shalt  }
0x48: {  	_ =	shalt  }
0x49: {  	_ =	shalt  }
0x4a: {  	_ =	shalt  }
0x4b: {  	_ =	shalt  }
0x4c: {  	_ =	shalt  }
0x4d: {  	_ =	shalt  }
0x4e: {  	_ =	shalt  }
0x4f: {  	_ =	shalt  }
0x50: {  	_ =	shalt  }
0x51: {  	_ =	shalt  }
0x52: {  	_ =	shalt  }
0x53: {  	_ =	shalt  }
0x54: {  	_ =	shalt  }
0x55: {  	_ =	shalt  }
0x56: {  	_ =	shalt  }
0x57: {  	_ =	shalt  }
0x58: {  	_ =	shalt  }
0x59: {  	_ =	shalt  }
0x5a: {  	_ =	shalt  }
0x5b: {  	_ =	shalt  }
0x5c: {  	_ =	shalt  }
0x5d: {  	_ =	shalt  }
0x5e: {  	_ =	shalt  }
0x5f: {  	_ =	shalt  }
0x60: {  	_ =	shalt  }
0x61: {  	_ =	shalt  }
0x62: {  	_ =	shalt  }
0x63: {  	_ =	shalt  }
0x64: {  	_ =	shalt  }
0x65: {  	_ =	shalt  }
0x66: {  	_ =	shalt  }
0x67: {  	_ =	shalt  }
0x68: {  	_ =	shalt  }
0x69: {  	_ =	shalt  }
0x6a: {  	_ =	shalt  }
0x6b: {  	_ =	shalt  }
0x6c: {  	_ =	shalt  }
0x6d: {  	_ =	shalt  }
0x6e: {  	_ =	shalt  }
0x6f: {  	_ =	shalt  }
0x70: {  	_ =	shalt  }
0x71: {  	_ =	shalt  }
0x72: {  	_ =	shalt  }
0x73: {  	_ =	shalt  }
0x74: {  	_ =	shalt  }
0x75: {  	_ =	shalt  }
0x76: {  	_ =	shalt  }
0x77: {  	_ =	shalt  }
0x78: {  	_ =	shalt  }
0x79: {  	_ =	shalt  }
0x7a: {  	_ =	shalt  }
0x7b: {  	_ =	shalt  }
0x7c: {  	_ =	shalt  }
0x7d: {  	_ =	shalt  }
0x7e: {  	_ =	shalt  }
0x7f: {  	_ =	shalt  }
0x80: {  	_ =	shalt  }
0x81: {  	_ =	shalt  }
0x82: {  	_ =	shalt  }
0x83: {  	_ =	shalt  }
0x84: {  	_ =	shalt  }
0x85: {  	_ =	shalt  }
0x86: {  	_ =	shalt  }
0x87: {  	_ =	shalt  }
.Lfunc_end0:
.L_simem_size_0:
called_computation_lowered:
.L_overlay_start_0:
0x88: {  	s2 =	sld [smem:$0x3FD9]  }
0x89: {  	s3 =	sld [smem:$0x3FFE];
	_ =	sdelay $0x1  }
0x8a: {  	s1 =	srdreg.scid  }
0x8b: {  	s0 =	sand.u32 $0x1, s1  }
0x8c: {  	s18 =	sshll.u32 s0, $0xA;
	s2 =	sadd.s32 s3, s2  }
0x8d: {  	s2 =	sadd.s32 s2, s18  }
0x8e: {  	[smem:$0x3FC6] =	sst s2  }
0x8f: {  	_ = 	snop  }
0x90: {  	s2 =	sld [smem:$0x3FC9]  }
0x91: {  	s19 =	sld [smem:$0x3FC8]  }
0x92: {  	s4 =	sld [smem:$0x3FD0];
	(tm) =	ssettm $0x1  }
0x93: {  	s5 =	sld [smem:$0x3FFB];
	_ =	sdelay $0x3  }
0x94: {  	_ =	strace s5  }
0x95: {  	s5 =	sld [smem:$0x3FFC];
	_ =	sdelay $0x3  }
0x96: {  	_ =	strace s5  }
0x97: {  	s5 =	sld [smem:$0x3FFD];
	_ =	sdelay $0x3  }
0x98: {  	_ =	strace s5  }
0x99: {  	_ =	strace $0x8FFFFFFF  }
0x9a: {  	s20 =	sld [smem:$0x3FDB];
	_ =	sdelay $0x1  }
0x9b: {  	s6 =	simm.s32 $_scs_section_size  }
0x9c: {  	s7 =	simm.s32 $_size__tile_overlayer_lowered;
	s8 =	simm.s32 $_tile_overlayer_lowered  }
0x9d: {  	s23 =	simm.s32 $0x1BFF;
	s22 =	sshll.u32 s8, $0x1;
	s5 =	sadd.s32 s6, s20  }
0x9e: {  	s9 =	simm.s32 $0x0;
	s21 =	sshll.u32 s7, $0x1;
	s7 =	sadd.s32 s22, s5  }
0x9f: {  	[timem:s9], [sflag:s23] =	dma.local [hbm:s7], s21  }
0xa0: {  	_ =	swait.ge [sflag:s23], s21  }
0xa1: {  	s6 =	ssub.s32 $0x0, s21;
	[sflag:s23] =	ssyncset.done $0x0  }
0xa2: {  	[sflag:s23] =	ssyncadd.s32 s6;
	_ =	sdelay $0x1  }
0xa3: {  	s24 =	simm.s32 $0x1B8B  }
0xa4: {  	_ =	swait.ge [sflag:s24], $0x1  }
0xa5: {  	[sflag:s24] =	ssyncset.done $0x0  }
0xa6: {  	s25 =	simm.s32 $0x1B8E;
	[sflag:s24] =	ssyncadd.s32 $0xFFFFFFFF  }
0xa7: {  	s26 =	simm.s32 $execute0_lowered;
	[smem:$0x3FD2] =	sst s25  }
0xa8: {  	s6 =	sshll.u32 s26, $0x1;
	_ =	strace $0x80000046;
	[dreg:$0x1] =	wrdreg $0xFFFFFFFF  }
0xa9: {  	s28 =	simm.s32 $_size_execute0_lowered;
	s5 =	sadd.s32 s5, s6;
	[dreg:$0x0] =	wrdreg $0x0  }
0xaa: {  	s6 =	sshll.u32 s28, $0x1;
	[dreg:$0x2] =	wrdreg s5  }
0xab: {  	[dreg:$0x3] =	wrdreg s6  }
0xac: {  	[dreg:$0x4] =	wrdreg $0xC0  }
0xad: {  	_ =	task [dreg:s9], $0x5FFFF  }
0xae: {  	[dreg:$0x1] =	wrdreg $0xFFFFFFFF  }
0xaf: {  	[dreg:$0x0] =	wrdreg $0x60  }
0xb0: {  	[dreg:$0x2] =	wrdreg s2  }
0xb1: {  	[dreg:$0x3] =	wrdreg s19  }
0xb2: {  	[dreg:$0x4] =	wrdreg s4  }
0xb3: {  	[dreg:$0x5] =	wrdreg $0x9  }
0xb4: {  	_ =	task.clear_ibuf [dreg:s9], $0x6FFFF;
	_ =	strace $0x90000046  }
0xb5: {  	s29 =	simm.s32 $0x9;
	_ =	strace $0x80000048  }
0xb6: {  	_ =	swait.ge [sflag:s29], $0x1  }
0xb7: {  	[sflag:s29] =	ssyncadd.s32 $0xFFFFFFFF  }
0xb8: {  	_ =	strace $0x90000048  }
0xb9: {  	_ =	sfence  }
0xba: {  	s30 =	sld [smem:$0x0];
	_ =	sdelay $0x2  }
0xbb: {  	s31 =	sshll.u32 s1, $0xD;
	s1 =	sshrl.u32 s1, $0x2  }
0xbc: {  	s3 =	sand.u32 $0x4000, s31;
	s1 =	sadd.s32 s1, s30  }
0xbd: {  	s0 =	sor.u32 s3, s0;
	s1 =	sshll.u32 s1, $0x11  }
0xbe: {  	s0 =	sor.u32 s1, s0  }
0xbf: {  	s0 =	sadd.s32 $0x8F2B, s0  }
0xc0: {  	[sflag:s0] =	ssyncadd.remote.s32 $0x1  }
0xc1: {  	_ =	sfence.sel $0xFFFF  }
0xc2: {  	[dreg:$0x0] =	wrdreg $0xFFFFFFFF;
	(pc) =	sbr.abs _section_cstart, $3  }
0xc3: {  	[dreg:$0x1] =	wrdreg $0xFFFFFFFF  }
0xc4: {  	_ =	task.clear_ibuf [dreg:s9], $0x2FFFF;
	_ =	strace $0x9FFFFFFF  }
0xc5: {  	(tm) =	ssettm $0x7FFFFFFF  }
tec
execute0_lowered:
.L_overlay_start_1:
0x0: {  	(tag) =	ssettag $0x1  }
0x1: {  	s0 =	rddreg [dreg:$0x0];
	s2 =	srdreg.scid  }
0x2: {  	s3 =	simm.s32 $0x0;
	s5 =	stileid.u32;
	s2 =	sand.u32 $0x1, s2  }
0x3: {  	s5 =	sshll.u32 s5, $0xA;
	s4 =	ssub.s32 $0x2, s2;
	s2 =	sshll.u32 s2, $0x9  }
0x4: {  	[smem:$0x7FF] =	sst s3;
	s2 =	sor.u32 s2, s5  }
0x5: {  	s1 =	rddreg [dreg:$0x2];
	_ =	strace $0x80000047;
	s0 =	sadd.s32 s0, s2  }
0x6: {  	s6 =	sshrl.u32 s4, $0x1;
	s1 =	sadd.s32 s1, s2;
	[dreg:$0x5] =	wrdreg s0  }
0x7: {  	s4 =	ssub.s32 s4, s6;
	[dreg:$0x4] =	wrdreg s1;
	s30 =	sadd.s32 $0x100, s1  }
0x8: {  	s31 =	smax.u32 s4, $0x1;
	[dreg:$0x6] =	wrdreg s30  }
0x9: {  	v0 =	vlaneseq.u32;
	s5 =	simm.s32 $0x8000;
	s2 =	simm.s32 $0x0;
	[dreg:$0x7] =	wrdreg s31  }
.LBB2_1:
0xa: {  	[dreg:$0x8] =	wrdreg s2  }
0xb: {  	s0 =	rddreg [dreg:$0x1]  }
0xc: {  	s28 =	rddreg [dreg:$0x5]  }
0xd: {  	[tilespmem:s3], [sflag:$0x1] =	stream.linear.gather [hbm4b:s0+s3], $0x8000, $0x38;
	[tilespmem:$0xC200] =	vst v63  }
0xe: {  	s1 =	simm.s32 $0x80;
	s29 =	simm.s32 $0x400;
	s30 =	simm.s32 $0x2  }
0xf: {  	[tilespmem:s5], [sflag:$0x2] =	stream.strided.gather [hbm4b:s28+s1], $0x200, s29, s1, $0x38;
	[tilespmem:$0xC200] =	vst v63  }
0x10: {  	_ =	swait.ge [sflag:s30], $0x200  }
0x11: {  	[sflag:s30] =	ssyncset.done $0x0  }
0x12: {  	s31 =	simm.s32 $0x1;
	[sflag:s30] =	ssyncadd.s32 $0xFFFFFE00  }
0x13: {  	_ =	swait.ge [sflag:s31], $0x8000  }
0x14: {  	s23 =	simm.s32 $0x0;
	s24 =	simm.s32 $0x0;
	[sflag:s31] =	ssyncset.done $0x0  }
0x15: {  	s25 =	simm.s32 $0x0;
	s26 =	simm.s32 $0x0;
	[sflag:s31] =	ssyncadd.s32 $0xFFFF8000  }
.LBB2_2:
0x16: {  	v1 =	vor.u32 s26, v0;
	_ =	sdelay $0x3  }
0x17: {  	s0 =	simm.s32 $0x8000  }
0x18: {  	v1 =	vld.idx.msk [tilespmem:v1+s0+$0x0], $0xffff;
	_ =	sdelay $0x4  }
0x19: {  	v2 =	vshll.u32 v1, $0x3  }
0x1a: {  	v1 =	vand.u32 $0x7F, v1;
	v2 =	vand.u32 $0xFFFFFC00, v2  }
0x1b: {  	v1 =	vor.u32 v1, v2;
	_ =	sdelay $0x4  }
0x1c: {  	v2 =	vld.idx.msk [tilespmem:v1+s3+$0x0], $0xffff  }
0x1d: {  	v3 =	vor.u32 $0x80, v1  }
0x1e: {  	s15 =	sand.u32 $0x400, s25  }
0x1f: {  	s14 =	sand.u32 $0x60, s26;
	s11 =	sor.u32 $0x8200, s15  }
0x20: {  	s0 =	sor.u32 s14, s11  }
0x21: {  	[tilespmem:s0+$0x0] =	vst v2  }
0x22: {  	v2 =	vld.idx.msk [tilespmem:v3+s3+$0x0], $0xffff  }
0x23: {  	v3 =	vor.u32 $0x100, v1;
	_ =	sdelay $0x3  }
0x24: {  	[tilespmem:s0+$0x80] =	vst v2  }
0x25: {  	v2 =	vld.idx.msk [tilespmem:v3+s3+$0x0], $0xffff  }
0x26: {  	v3 =	vor.u32 $0x180, v1;
	_ =	sdelay $0x3  }
0x27: {  	[tilespmem:s0+$0x100] =	vst v2  }
0x28: {  	v2 =	vld.idx.msk [tilespmem:v3+s3+$0x0], $0xffff  }
0x29: {  	v3 =	vor.u32 $0x200, v1;
	_ =	sdelay $0x3  }
0x2a: {  	[tilespmem:s0+$0x180] =	vst v2  }
0x2b: {  	v2 =	vld.idx.msk [tilespmem:v3+s3+$0x0], $0xffff  }
0x2c: {  	v3 =	vor.u32 $0x280, v1;
	_ =	sdelay $0x3  }
0x2d: {  	[tilespmem:s0+$0x200] =	vst v2  }
0x2e: {  	v2 =	vld.idx.msk [tilespmem:v3+s3+$0x0], $0xffff  }
0x2f: {  	v3 =	vor.u32 $0x300, v1;
	_ =	sdelay $0x3  }
0x30: {  	[tilespmem:s0+$0x280] =	vst v2  }
0x31: {  	v2 =	vld.idx.msk [tilespmem:v3+s3+$0x0], $0xffff  }
0x32: {  	s12 =	sand.u32 $0x3, s23;
	v3 =	vor.u32 $0x380, v1  }
0x33: {  	s0 =	sshll.u32 s12, $0x5  }
0x34: {  	s0 =	sadd.s32 s0, s25  }
0x35: {  	s0 =	sor.u32 $0x300, s0  }
0x36: {  	[tilespmem:s0+$0x8200] =	vst v2  }
0x37: {  	v2 =	vld.idx.msk [tilespmem:v3+s3+$0x0], $0xffff  }
0x38: {  	v3 =	vadd.s32 $0x2000, v1;
	_ =	sdelay $0x1  }
0x39: {  	s13 =	sor.u32 s26, s25  }
0x3a: {  	s0 =	sor.u32 $0x380, s13  }
0x3b: {  	[tilespmem:s0+$0x8200] =	vst v2  }
0x3c: {  	v2 =	vld.idx.msk [tilespmem:v3+s3+$0x0], $0xffff  }
0x3d: {  	v3 =	vadd.s32 $0x2080, v1;
	_ =	sdelay $0x1  }
0x3e: {  	s16 =	sor.u32 $0x9200, s15  }
0x3f: {  	s0 =	sor.u32 s14, s16  }
0x40: {  	[tilespmem:s0+$0x0] =	vst v2  }
0x41: {  	v2 =	vld.idx.msk [tilespmem:v3+s3+$0x0], $0xffff  }
0x42: {  	v3 =	vadd.s32 $0x2100, v1;
	_ =	sdelay $0x1  }
0x43: {  	s30 =	sor.u32 $0x9280, s15  }
0x44: {  	s17 =	sor.u32 s14, s30  }
0x45: {  	[tilespmem:s17+$0x0] =	vst v2  }
0x46: {  	v2 =	vld.idx.msk [tilespmem:v3+s3+$0x0], $0xffff  }
0x47: {  	v3 =	vadd.s32 $0x2180, v1;
	_ =	sdelay $0x1  }
0x48: {  	s31 =	sor.u32 $0x9300, s15  }
0x49: {  	s18 =	sor.u32 s14, s31  }
0x4a: {  	[tilespmem:s18+$0x0] =	vst v2  }
0x4b: {  	v2 =	vld.idx.msk [tilespmem:v3+s3+$0x0], $0xffff  }
0x4c: {  	v3 =	vadd.s32 $0x2200, v1;
	_ =	sdelay $0x1  }
0x4d: {  	s29 =	sor.u32 $0x9380, s15  }
0x4e: {  	s1 =	sor.u32 s14, s29  }
0x4f: {  	[tilespmem:s1+$0x0] =	vst v2  }
0x50: {  	v2 =	vld.idx.msk [tilespmem:v3+s3+$0x0], $0xffff  }
0x51: {  	v3 =	vadd.s32 $0x2280, v1;
	_ =	sdelay $0x1  }
0x52: {  	s2 =	sadd.s32 $0x9400, s15  }
0x53: {  	s19 =	sor.u32 s14, s2  }
0x54: {  	[tilespmem:s19+$0x0] =	vst v2  }
0x55: {  	v2 =	vld.idx.msk [tilespmem:v3+s3+$0x0], $0xffff  }
0x56: {  	v3 =	vadd.s32 $0x2300, v1;
	_ =	sdelay $0x1  }
0x57: {  	s1 =	sadd.s32 $0x9480, s15  }
0x58: {  	s4 =	sor.u32 s14, s1  }
0x59: {  	[tilespmem:s4+$0x0] =	vst v2  }
0x5a: {  	v2 =	vld.idx.msk [tilespmem:v3+s3+$0x0], $0xffff  }
0x5b: {  	v3 =	vadd.s32 $0x2380, v1;
	_ =	sdelay $0x1  }
0x5c: {  	s8 =	sadd.s32 $0x9500, s15  }
0x5d: {  	s20 =	sor.u32 s14, s8  }
0x5e: {  	[tilespmem:s20+$0x0] =	vst v2  }
0x5f: {  	v2 =	vld.idx.msk [tilespmem:v3+s3+$0x0], $0xffff  }
0x60: {  	v3 =	vadd.s32 $0x4000, v1;
	_ =	sdelay $0x1  }
0x61: {  	s9 =	sadd.s32 $0x9580, s15  }
0x62: {  	s21 =	sor.u32 s14, s9  }
0x63: {  	[tilespmem:s21+$0x0] =	vst v2  }
0x64: {  	v2 =	vld.idx.msk [tilespmem:v3+s3+$0x0], $0xffff  }
0x65: {  	v3 =	vadd.s32 $0x4080, v1;
	_ =	sdelay $0x1  }
0x66: {  	s13 =	sor.u32 $0xA200, s15  }
0x67: {  	s22 =	sor.u32 s14, s13  }
0x68: {  	[tilespmem:s22+$0x0] =	vst v2  }
0x69: {  	v2 =	vld.idx.msk [tilespmem:v3+s3+$0x0], $0xffff  }
0x6a: {  	v3 =	vadd.s32 $0x4100, v1;
	_ =	sdelay $0x1  }
0x6b: {  	[dreg:$0xa] =	wrdreg s16;
	s16 =	sor.u32 $0xA280, s15  }
0x6c: {  	s28 =	sor.u32 s14, s16  }
0x6d: {  	[tilespmem:s28+$0x0] =	vst v2  }
0x6e: {  	v2 =	vld.idx.msk [tilespmem:v3+s3+$0x0], $0xffff  }
0x6f: {  	v3 =	vadd.s32 $0x4180, v1;
	_ =	sdelay $0x1  }
0x70: {  	s17 =	sor.u32 $0xA300, s15  }
0x71: {  	s0 =	sor.u32 s14, s17  }
0x72: {  	[tilespmem:s0+$0x0] =	vst v2  }
0x73: {  	v2 =	vld.idx.msk [tilespmem:v3+s3+$0x0], $0xffff  }
0x74: {  	v3 =	vadd.s32 $0x4200, v1;
	_ =	sdelay $0x1  }
0x75: {  	s18 =	sor.u32 $0xA380, s15  }
0x76: {  	s5 =	sor.u32 s14, s18  }
0x77: {  	[tilespmem:s5+$0x0] =	vst v2  }
0x78: {  	v2 =	vld.idx.msk [tilespmem:v3+s3+$0x0], $0xffff  }
0x79: {  	v3 =	vadd.s32 $0x4280, v1;
	_ =	sdelay $0x1  }
0x7a: {  	s19 =	sadd.s32 $0xA400, s15  }
0x7b: {  	s6 =	sor.u32 s14, s19  }
0x7c: {  	[tilespmem:s6+$0x0] =	vst v2  }
0x7d: {  	v2 =	vld.idx.msk [tilespmem:v3+s3+$0x0], $0xffff  }
0x7e: {  	v3 =	vadd.s32 $0x4300, v1;
	_ =	sdelay $0x1  }
0x7f: {  	s20 =	sadd.s32 $0xA480, s15  }
0x80: {  	s7 =	sor.u32 s14, s20  }
0x81: {  	[tilespmem:s7+$0x0] =	vst v2  }
0x82: {  	v2 =	vld.idx.msk [tilespmem:v3+s3+$0x0], $0xffff  }
0x83: {  	v3 =	vadd.s32 $0x4380, v1;
	_ =	sdelay $0x1  }
0x84: {  	s5 =	sadd.s32 $0xA500, s15  }
0x85: {  	s10 =	sor.u32 s14, s5  }
0x86: {  	[tilespmem:s10+$0x0] =	vst v2  }
0x87: {  	v2 =	vld.idx.msk [tilespmem:v3+s3+$0x0], $0xffff  }
0x88: {  	v3 =	vadd.s32 $0x6000, v1;
	_ =	sdelay $0x1  }
0x89: {  	s7 =	sadd.s32 $0xA580, s15  }
0x8a: {  	[dreg:$0x9] =	wrdreg s11;
	s11 =	sor.u32 s14, s7  }
0x8b: {  	[tilespmem:s11+$0x0] =	vst v2  }
0x8c: {  	v2 =	vld.idx.msk [tilespmem:v3+s3+$0x0], $0xffff  }
0x8d: {  	v3 =	vadd.s32 $0x6080, v1;
	_ =	sdelay $0x1  }
0x8e: {  	s11 =	sor.u32 $0xB200, s15  }
0x8f: {  	s12 =	sor.u32 s14, s11  }
0x90: {  	[tilespmem:s12+$0x0] =	vst v2  }
0x91: {  	v2 =	vld.idx.msk [tilespmem:v3+s3+$0x0], $0xffff  }
0x92: {  	v3 =	vadd.s32 $0x6100, v1;
	_ =	sdelay $0x1  }
0x93: {  	s12 =	sor.u32 $0xB280, s15  }
0x94: {  	s21 =	sor.u32 s14, s12  }
0x95: {  	[tilespmem:s21+$0x0] =	vst v2  }
0x96: {  	v2 =	vld.idx.msk [tilespmem:v3+s3+$0x0], $0xffff  }
0x97: {  	v3 =	vadd.s32 $0x6180, v1;
	_ =	sdelay $0x1  }
0x98: {  	s21 =	sor.u32 $0xB300, s15  }
0x99: {  	s22 =	sor.u32 s14, s21  }
0x9a: {  	[tilespmem:s22+$0x0] =	vst v2  }
0x9b: {  	v2 =	vld.idx.msk [tilespmem:v3+s3+$0x0], $0xffff  }
0x9c: {  	v3 =	vadd.s32 $0x6200, v1;
	_ =	sdelay $0x1  }
0x9d: {  	s6 =	sor.u32 $0xB380, s15  }
0x9e: {  	s28 =	sor.u32 s14, s6  }
0x9f: {  	[tilespmem:s28+$0x0] =	vst v2  }
0xa0: {  	v2 =	vld.idx.msk [tilespmem:v3+s3+$0x0], $0xffff  }
0xa1: {  	v3 =	vadd.s32 $0x6280, v1;
	_ =	sdelay $0x1  }
0xa2: {  	s4 =	sadd.s32 $0xB400, s15  }
0xa3: {  	s10 =	sor.u32 s14, s4  }
0xa4: {  	[tilespmem:s10+$0x0] =	vst v2  }
0xa5: {  	v2 =	vld.idx.msk [tilespmem:v3+s3+$0x0], $0xffff  }
0xa6: {  	v3 =	vadd.s32 $0x6300, v1;
	_ =	sdelay $0x1  }
0xa7: {  	s22 =	sadd.s32 $0xB480, s15  }
0xa8: {  	s0 =	sor.u32 s14, s22  }
0xa9: {  	[tilespmem:s0+$0x0] =	vst v2  }
0xaa: {  	v2 =	vld.idx.msk [tilespmem:v3+s3+$0x0], $0xffff  }
0xab: {  	v1 =	vadd.s32 $0x6380, v1;
	_ =	sdelay $0x1  }
0xac: {  	s10 =	sadd.s32 $0xB500, s15  }
0xad: {  	s28 =	sor.u32 s14, s10  }
0xae: {  	[tilespmem:s28+$0x0] =	vst v2  }
0xaf: {  	s28 =	sadd.s32 $0x10, s26;
	v1 =	vld.idx.msk [tilespmem:v1+s3+$0x0], $0xffff  }
0xb0: {  	v2 =	vor.u32 s28, v0;
	_ =	sdelay $0x1  }
0xb1: {  	s15 =	sadd.s32 $0xB580, s15  }
0xb2: {  	s14 =	sor.u32 s14, s15  }
0xb3: {  	[tilespmem:s14+$0x0] =	vst v1;
	s14 =	simm.s32 $0x8000  }
0xb4: {  	v1 =	vld.idx.msk [tilespmem:v2+s14+$0x0], $0xffff;
	_ =	sdelay $0x4  }
0xb5: {  	v2 =	vshll.u32 v1, $0x3  }
0xb6: {  	v1 =	vand.u32 $0x7F, v1;
	v2 =	vand.u32 $0xFFFFFC00, v2  }
0xb7: {  	v1 =	vor.u32 v1, v2;
	_ =	sdelay $0x4  }
0xb8: {  	v2 =	vld.idx.msk [tilespmem:v1+s3+$0x0], $0xffff  }
0xb9: {  	v3 =	vor.u32 $0x80, v1;
	_ =	sdelay $0x1  }
0xba: {  	s0 =	rddreg [dreg:$0x9];
	s14 =	sand.u32 $0x70, s28  }
0xbb: {  	s0 =	sor.u32 s14, s0  }
0xbc: {  	[tilespmem:s0+$0x0] =	vst v2  }
0xbd: {  	v2 =	vld.idx.msk [tilespmem:v3+s3+$0x0], $0xffff  }
0xbe: {  	v3 =	vor.u32 $0x100, v1;
	_ =	sdelay $0x3  }
0xbf: {  	[tilespmem:s0+$0x80] =	vst v2  }
0xc0: {  	v2 =	vld.idx.msk [tilespmem:v3+s3+$0x0], $0xffff  }
0xc1: {  	v3 =	vor.u32 $0x180, v1;
	_ =	sdelay $0x3  }
0xc2: {  	[tilespmem:s0+$0x100] =	vst v2  }
0xc3: {  	v2 =	vld.idx.msk [tilespmem:v3+s3+$0x0], $0xffff  }
0xc4: {  	v3 =	vor.u32 $0x200, v1;
	_ =	sdelay $0x3  }
0xc5: {  	[tilespmem:s0+$0x180] =	vst v2  }
0xc6: {  	v2 =	vld.idx.msk [tilespmem:v3+s3+$0x0], $0xffff  }
0xc7: {  	v3 =	vor.u32 $0x280, v1;
	_ =	sdelay $0x3  }
0xc8: {  	[tilespmem:s0+$0x200] =	vst v2  }
0xc9: {  	v2 =	vld.idx.msk [tilespmem:v3+s3+$0x0], $0xffff  }
0xca: {  	v3 =	vor.u32 $0x300, v1;
	_ =	sdelay $0x3  }
0xcb: {  	[tilespmem:s0+$0x280] =	vst v2  }
0xcc: {  	s0 =	sand.u32 $0x7, s24;
	v2 =	vld.idx.msk [tilespmem:v3+s3+$0x0], $0xffff  }
0xcd: {  	s0 =	sshll.u32 s0, $0x4;
	v3 =	vor.u32 $0x380, v1  }
0xce: {  	s0 =	sadd.s32 s25, s0  }
0xcf: {  	s0 =	sadd.s32 $0x10, s0  }
0xd0: {  	s0 =	sor.u32 $0x300, s0  }
0xd1: {  	[tilespmem:s0+$0x8200] =	vst v2  }
0xd2: {  	v2 =	vld.idx.msk [tilespmem:v3+s3+$0x0], $0xffff  }
0xd3: {  	v3 =	vadd.s32 $0x2000, v1;
	_ =	sdelay $0x1  }
0xd4: {  	s28 =	sor.u32 s28, s25  }
0xd5: {  	s0 =	sor.u32 $0x380, s28  }
0xd6: {  	[tilespmem:s0+$0x8200] =	vst v2  }
0xd7: {  	v2 =	vld.idx.msk [tilespmem:v3+s3+$0x0], $0xffff  }
0xd8: {  	v3 =	vadd.s32 $0x2080, v1;
	_ =	sdelay $0x1  }
0xd9: {  	s28 =	rddreg [dreg:$0xa]  }
0xda: {  	s0 =	sor.u32 s14, s28  }
0xdb: {  	[tilespmem:s0+$0x0] =	vst v2  }
0xdc: {  	v2 =	vld.idx.msk [tilespmem:v3+s3+$0x0], $0xffff  }
0xdd: {  	v3 =	vadd.s32 $0x2100, v1;
	_ =	sdelay $0x2  }
0xde: {  	s28 =	sor.u32 s14, s30  }
0xdf: {  	[tilespmem:s28+$0x0] =	vst v2  }
0xe0: {  	v2 =	vld.idx.msk [tilespmem:v3+s3+$0x0], $0xffff  }
0xe1: {  	v3 =	vadd.s32 $0x2180, v1;
	_ =	sdelay $0x2  }
0xe2: {  	s30 =	sor.u32 s14, s31  }
0xe3: {  	[tilespmem:s30+$0x0] =	vst v2  }
0xe4: {  	v2 =	vld.idx.msk [tilespmem:v3+s3+$0x0], $0xffff  }
0xe5: {  	v3 =	vadd.s32 $0x2200, v1;
	_ =	sdelay $0x2  }
0xe6: {  	s31 =	sor.u32 s14, s29  }
0xe7: {  	[tilespmem:s31+$0x0] =	vst v2  }
0xe8: {  	v2 =	vld.idx.msk [tilespmem:v3+s3+$0x0], $0xffff  }
0xe9: {  	v3 =	vadd.s32 $0x2280, v1;
	_ =	sdelay $0x2  }
0xea: {  	s2 =	sor.u32 s14, s2  }
0xeb: {  	[tilespmem:s2+$0x0] =	vst v2  }
0xec: {  	v2 =	vld.idx.msk [tilespmem:v3+s3+$0x0], $0xffff  }
0xed: {  	v3 =	vadd.s32 $0x2300, v1;
	_ =	sdelay $0x2  }
0xee: {  	s28 =	sor.u32 s14, s1  }
0xef: {  	[tilespmem:s28+$0x0] =	vst v2  }
0xf0: {  	v2 =	vld.idx.msk [tilespmem:v3+s3+$0x0], $0xffff  }
0xf1: {  	v3 =	vadd.s32 $0x2380, v1;
	_ =	sdelay $0x2  }
0xf2: {  	s29 =	sor.u32 s14, s8  }
0xf3: {  	[tilespmem:s29+$0x0] =	vst v2  }
0xf4: {  	v2 =	vld.idx.msk [tilespmem:v3+s3+$0x0], $0xffff  }
0xf5: {  	v3 =	vadd.s32 $0x4000, v1;
	_ =	sdelay $0x2  }
0xf6: {  	s30 =	sor.u32 s14, s9  }
0xf7: {  	[tilespmem:s30+$0x0] =	vst v2  }
0xf8: {  	v2 =	vld.idx.msk [tilespmem:v3+s3+$0x0], $0xffff  }
0xf9: {  	v3 =	vadd.s32 $0x4080, v1;
	_ =	sdelay $0x2  }
0xfa: {  	s31 =	sor.u32 s14, s13  }
0xfb: {  	[tilespmem:s31+$0x0] =	vst v2  }
0xfc: {  	v2 =	vld.idx.msk [tilespmem:v3+s3+$0x0], $0xffff  }
0xfd: {  	v3 =	vadd.s32 $0x4100, v1;
	_ =	sdelay $0x2  }
0xfe: {  	s1 =	sor.u32 s14, s16  }
0xff: {  	[tilespmem:s1+$0x0] =	vst v2  }
0x100: {  	v2 =	vld.idx.msk [tilespmem:v3+s3+$0x0], $0xffff  }
0x101: {  	v3 =	vadd.s32 $0x4180, v1;
	_ =	sdelay $0x2  }
0x102: {  	s2 =	sor.u32 s14, s17  }
0x103: {  	[tilespmem:s2+$0x0] =	vst v2  }
0x104: {  	v2 =	vld.idx.msk [tilespmem:v3+s3+$0x0], $0xffff  }
0x105: {  	v3 =	vadd.s32 $0x4200, v1;
	_ =	sdelay $0x2  }
0x106: {  	s8 =	sor.u32 s14, s18  }
0x107: {  	[tilespmem:s8+$0x0] =	vst v2  }
0x108: {  	v2 =	vld.idx.msk [tilespmem:v3+s3+$0x0], $0xffff  }
0x109: {  	v3 =	vadd.s32 $0x4280, v1;
	_ =	sdelay $0x2  }
0x10a: {  	s9 =	sor.u32 s14, s19  }
0x10b: {  	[tilespmem:s9+$0x0] =	vst v2  }
0x10c: {  	v2 =	vld.idx.msk [tilespmem:v3+s3+$0x0], $0xffff  }
0x10d: {  	v3 =	vadd.s32 $0x4300, v1;
	_ =	sdelay $0x2  }
0x10e: {  	s13 =	sor.u32 s14, s20  }
0x10f: {  	[tilespmem:s13+$0x0] =	vst v2  }
0x110: {  	v2 =	vld.idx.msk [tilespmem:v3+s3+$0x0], $0xffff  }
0x111: {  	v3 =	vadd.s32 $0x4380, v1;
	_ =	sdelay $0x2  }
0x112: {  	s16 =	sor.u32 s14, s5  }
0x113: {  	[tilespmem:s16+$0x0] =	vst v2  }
0x114: {  	v2 =	vld.idx.msk [tilespmem:v3+s3+$0x0], $0xffff  }
0x115: {  	v3 =	vadd.s32 $0x6000, v1;
	_ =	sdelay $0x2  }
0x116: {  	s17 =	sor.u32 s14, s7  }
0x117: {  	[tilespmem:s17+$0x0] =	vst v2  }
0x118: {  	v2 =	vld.idx.msk [tilespmem:v3+s3+$0x0], $0xffff  }
0x119: {  	v3 =	vadd.s32 $0x6080, v1;
	_ =	sdelay $0x2  }
0x11a: {  	s18 =	sor.u32 s14, s11  }
0x11b: {  	[tilespmem:s18+$0x0] =	vst v2  }
0x11c: {  	v2 =	vld.idx.msk [tilespmem:v3+s3+$0x0], $0xffff  }
0x11d: {  	v3 =	vadd.s32 $0x6100, v1;
	_ =	sdelay $0x2  }
0x11e: {  	s19 =	sor.u32 s14, s12  }
0x11f: {  	[tilespmem:s19+$0x0] =	vst v2  }
0x120: {  	v2 =	vld.idx.msk [tilespmem:v3+s3+$0x0], $0xffff  }
0x121: {  	v3 =	vadd.s32 $0x6180, v1;
	_ =	sdelay $0x2  }
0x122: {  	s20 =	sor.u32 s14, s21  }
0x123: {  	[tilespmem:s20+$0x0] =	vst v2  }
0x124: {  	v2 =	vld.idx.msk [tilespmem:v3+s3+$0x0], $0xffff  }
0x125: {  	v3 =	vadd.s32 $0x6200, v1;
	_ =	sdelay $0x2  }
0x126: {  	s21 =	sor.u32 s14, s6  }
0x127: {  	[tilespmem:s21+$0x0] =	vst v2  }
0x128: {  	v2 =	vld.idx.msk [tilespmem:v3+s3+$0x0], $0xffff  }
0x129: {  	v3 =	vadd.s32 $0x6280, v1;
	_ =	sdelay $0x2  }
0x12a: {  	s28 =	sor.u32 s14, s4  }
0x12b: {  	[tilespmem:s28+$0x0] =	vst v2  }
0x12c: {  	v2 =	vld.idx.msk [tilespmem:v3+s3+$0x0], $0xffff  }
0x12d: {  	v3 =	vadd.s32 $0x6300, v1;
	_ =	sdelay $0x2  }
0x12e: {  	s29 =	sor.u32 s14, s22  }
0x12f: {  	[tilespmem:s29+$0x0] =	vst v2  }
0x130: {  	v2 =	vld.idx.msk [tilespmem:v3+s3+$0x0], $0xffff  }
0x131: {  	v1 =	vadd.s32 $0x6380, v1;
	_ =	sdelay $0x2  }
0x132: {  	s30 =	sor.u32 s14, s10  }
0x133: {  	[tilespmem:s30+$0x0] =	vst v2  }
0x134: {  	p0 =	sne.s32 s26, $0xE0;
	v1 =	vld.idx.msk [tilespmem:v1+s3+$0x0], $0xffff  }
.Ltmp0:
0x135: {  	_ = 	snop;
	(pc) =	sbr.rel @p0 .LBB2_2-.Ltmp0, $3  }
0x136: {  	_ =	sdelay $0x1  }
0x137: {  	s23 =	sadd.s32 $0x1, s23;
	s31 =	sor.u32 s14, s15  }
0x138: {  	s26 =	sadd.s32 $0x20, s26;
	s24 =	sadd.s32 $0x2, s24;
	s25 =	sadd.s32 $0x100, s25;
	[tilespmem:s31+$0x0] =	vst v1  }
0x139: {  	s23 =	simm.s32 $0x0;
	s1 =	rddreg [dreg:$0x4];
	s0 =	simm.s32 $0x8200  }
0x13a: {  	[hbm4b:s1+s23] =	stream.linear.scatter [tilespmem:s0], [sflag:$0x3], $0x800, $0x38;
	[tilespmem:$0xC200] =	vst v63  }
0x13b: {  	s2 =	simm.s32 $0x9200;
	s29 =	simm.s32 $0xA200;
	s26 =	sadd.s32 $0x4000, s1  }
0x13c: {  	[hbm4b:s26+s23] =	stream.linear.scatter [tilespmem:s2], [sflag:$0x3], $0x800, $0x38;
	[tilespmem:$0xC200] =	vst v63  }
0x13d: {  	s31 =	simm.s32 $0xB200;
	s24 =	simm.s32 $0x100;
	s28 =	sadd.s32 $0x8000, s1  }
0x13e: {  	[hbm4b:s28+s23] =	stream.linear.scatter [tilespmem:s29], [sflag:$0x3], $0x800, $0x38;
	[tilespmem:$0xC200] =	vst v63  }
0x13f: {  	s25 =	simm.s32 $0x0;
	s5 =	simm.s32 $0x8000;
	s30 =	sadd.s32 $0xC000, s1  }
0x140: {  	[hbm4b:s30+s23] =	stream.linear.scatter [tilespmem:s31], [sflag:$0x3], $0x800, $0x38;
	[tilespmem:$0xC200] =	vst v63  }
.LBB2_4:
0x141: {  	v1 =	vor.u32 s24, v0;
	_ =	sdelay $0x4  }
0x142: {  	v1 =	vld.idx.msk [tilespmem:v1+s5+$0x0], $0xffff;
	_ =	sdelay $0x4  }
0x143: {  	v2 =	vshll.u32 v1, $0x3  }
0x144: {  	v1 =	vand.u32 $0x7F, v1;
	v2 =	vand.u32 $0xFFFFFC00, v2  }
0x145: {  	v1 =	vor.u32 v1, v2;
	_ =	sdelay $0x4  }
0x146: {  	v2 =	vld.idx.msk [tilespmem:v1+s3+$0x0], $0xffff  }
0x147: {  	v3 =	vor.u32 $0x80, v1  }
0x148: {  	s0 =	sadd.s32 $0xFFFFFF00, s24;
	s2 =	sadd.s32 $0x800, s25  }
0x149: {  	s1 =	sand.u32 $0x60, s0;
	s4 =	sand.u32 $0xC00, s2  }
0x14a: {  	s1 =	sor.u32 s1, s4  }
0x14b: {  	[tilespmem:s1+$0x8200] =	vst v2  }
0x14c: {  	v2 =	vld.idx.msk [tilespmem:v3+s3+$0x0], $0xffff  }
0x14d: {  	v3 =	vor.u32 $0x100, v1;
	_ =	sdelay $0x3  }
0x14e: {  	[tilespmem:s1+$0x8280] =	vst v2  }
0x14f: {  	v2 =	vld.idx.msk [tilespmem:v3+s3+$0x0], $0xffff  }
0x150: {  	v3 =	vor.u32 $0x180, v1;
	_ =	sdelay $0x3  }
0x151: {  	[tilespmem:s1+$0x8300] =	vst v2  }
0x152: {  	v2 =	vld.idx.msk [tilespmem:v3+s3+$0x0], $0xffff  }
0x153: {  	v3 =	vor.u32 $0x200, v1;
	_ =	sdelay $0x3  }
0x154: {  	[tilespmem:s1+$0x8380] =	vst v2  }
0x155: {  	v2 =	vld.idx.msk [tilespmem:v3+s3+$0x0], $0xffff  }
0x156: {  	v3 =	vor.u32 $0x280, v1;
	_ =	sdelay $0x3  }
0x157: {  	[tilespmem:s1+$0x8400] =	vst v2  }
0x158: {  	v2 =	vld.idx.msk [tilespmem:v3+s3+$0x0], $0xffff  }
0x159: {  	v3 =	vor.u32 $0x300, v1;
	_ =	sdelay $0x3  }
0x15a: {  	[tilespmem:s1+$0x8480] =	vst v2  }
0x15b: {  	v2 =	vld.idx.msk [tilespmem:v3+s3+$0x0], $0xffff  }
0x15c: {  	s26 =	sand.u32 $0x3, s23;
	v3 =	vor.u32 $0x380, v1  }
0x15d: {  	s4 =	sshll.u32 s26, $0x5  }
0x15e: {  	s4 =	sadd.s32 s4, s2  }
0x15f: {  	s4 =	sor.u32 $0x300, s4  }
0x160: {  	[tilespmem:s4+$0x8200] =	vst v2  }
0x161: {  	v2 =	vld.idx.msk [tilespmem:v3+s3+$0x0], $0xffff  }
0x162: {  	v3 =	vadd.s32 $0x2000, v1;
	_ =	sdelay $0x1  }
0x163: {  	s2 =	sor.u32 s2, s0  }
0x164: {  	s2 =	sor.u32 $0x380, s2  }
0x165: {  	[tilespmem:s2+$0x8200] =	vst v2  }
0x166: {  	v2 =	vld.idx.msk [tilespmem:v3+s3+$0x0], $0xffff  }
0x167: {  	v3 =	vadd.s32 $0x2080, v1;
	_ =	sdelay $0x3  }
0x168: {  	[tilespmem:s1+$0x9200] =	vst v2  }
0x169: {  	v2 =	vld.idx.msk [tilespmem:v3+s3+$0x0], $0xffff  }
0x16a: {  	v3 =	vadd.s32 $0x2100, v1;
	_ =	sdelay $0x3  }
0x16b: {  	[tilespmem:s1+$0x9280] =	vst v2  }
0x16c: {  	v2 =	vld.idx.msk [tilespmem:v3+s3+$0x0], $0xffff  }
0x16d: {  	v3 =	vadd.s32 $0x2180, v1;
	_ =	sdelay $0x3  }
0x16e: {  	[tilespmem:s1+$0x9300] =	vst v2  }
0x16f: {  	v2 =	vld.idx.msk [tilespmem:v3+s3+$0x0], $0xffff  }
0x170: {  	v3 =	vadd.s32 $0x2200, v1;
	_ =	sdelay $0x3  }
0x171: {  	[tilespmem:s1+$0x9380] =	vst v2  }
0x172: {  	v2 =	vld.idx.msk [tilespmem:v3+s3+$0x0], $0xffff  }
0x173: {  	v3 =	vadd.s32 $0x2280, v1;
	_ =	sdelay $0x3  }
0x174: {  	[tilespmem:s1+$0x9400] =	vst v2  }
0x175: {  	v2 =	vld.idx.msk [tilespmem:v3+s3+$0x0], $0xffff  }
0x176: {  	v3 =	vadd.s32 $0x2300, v1;
	_ =	sdelay $0x3  }
0x177: {  	[tilespmem:s1+$0x9480] =	vst v2  }
0x178: {  	v2 =	vld.idx.msk [tilespmem:v3+s3+$0x0], $0xffff  }
0x179: {  	v3 =	vadd.s32 $0x2380, v1;
	_ =	sdelay $0x3  }
0x17a: {  	[tilespmem:s1+$0x9500] =	vst v2  }
0x17b: {  	v2 =	vld.idx.msk [tilespmem:v3+s3+$0x0], $0xffff  }
0x17c: {  	v3 =	vadd.s32 $0x4000, v1;
	_ =	sdelay $0x3  }
0x17d: {  	[tilespmem:s1+$0x9580] =	vst v2  }
0x17e: {  	v2 =	vld.idx.msk [tilespmem:v3+s3+$0x0], $0xffff  }
0x17f: {  	v3 =	vadd.s32 $0x4080, v1;
	_ =	sdelay $0x3  }
0x180: {  	[tilespmem:s1+$0xA200] =	vst v2  }
0x181: {  	v2 =	vld.idx.msk [tilespmem:v3+s3+$0x0], $0xffff  }
0x182: {  	v3 =	vadd.s32 $0x4100, v1;
	_ =	sdelay $0x3  }
0x183: {  	[tilespmem:s1+$0xA280] =	vst v2  }
0x184: {  	v2 =	vld.idx.msk [tilespmem:v3+s3+$0x0], $0xffff  }
0x185: {  	v3 =	vadd.s32 $0x4180, v1;
	_ =	sdelay $0x3  }
0x186: {  	[tilespmem:s1+$0xA300] =	vst v2  }
0x187: {  	v2 =	vld.idx.msk [tilespmem:v3+s3+$0x0], $0xffff  }
0x188: {  	v3 =	vadd.s32 $0x4200, v1;
	_ =	sdelay $0x3  }
0x189: {  	[tilespmem:s1+$0xA380] =	vst v2  }
0x18a: {  	v2 =	vld.idx.msk [tilespmem:v3+s3+$0x0], $0xffff  }
0x18b: {  	v3 =	vadd.s32 $0x4280, v1;
	_ =	sdelay $0x3  }
0x18c: {  	[tilespmem:s1+$0xA400] =	vst v2  }
0x18d: {  	v2 =	vld.idx.msk [tilespmem:v3+s3+$0x0], $0xffff  }
0x18e: {  	v3 =	vadd.s32 $0x4300, v1;
	_ =	sdelay $0x3  }
0x18f: {  	[tilespmem:s1+$0xA480] =	vst v2  }
0x190: {  	v2 =	vld.idx.msk [tilespmem:v3+s3+$0x0], $0xffff  }
0x191: {  	v3 =	vadd.s32 $0x4380, v1;
	_ =	sdelay $0x3  }
0x192: {  	[tilespmem:s1+$0xA500] =	vst v2  }
0x193: {  	v2 =	vld.idx.msk [tilespmem:v3+s3+$0x0], $0xffff  }
0x194: {  	v3 =	vadd.s32 $0x6000, v1;
	_ =	sdelay $0x3  }
0x195: {  	[tilespmem:s1+$0xA580] =	vst v2  }
0x196: {  	v2 =	vld.idx.msk [tilespmem:v3+s3+$0x0], $0xffff  }
0x197: {  	v3 =	vadd.s32 $0x6080, v1;
	_ =	sdelay $0x3  }
0x198: {  	[tilespmem:s1+$0xB200] =	vst v2  }
0x199: {  	v2 =	vld.idx.msk [tilespmem:v3+s3+$0x0], $0xffff  }
0x19a: {  	v3 =	vadd.s32 $0x6100, v1;
	_ =	sdelay $0x3  }
0x19b: {  	[tilespmem:s1+$0xB280] =	vst v2  }
0x19c: {  	v2 =	vld.idx.msk [tilespmem:v3+s3+$0x0], $0xffff  }
0x19d: {  	v3 =	vadd.s32 $0x6180, v1;
	_ =	sdelay $0x3  }
0x19e: {  	[tilespmem:s1+$0xB300] =	vst v2  }
0x19f: {  	v2 =	vld.idx.msk [tilespmem:v3+s3+$0x0], $0xffff  }
0x1a0: {  	v3 =	vadd.s32 $0x6200, v1;
	_ =	sdelay $0x3  }
0x1a1: {  	[tilespmem:s1+$0xB380] =	vst v2  }
0x1a2: {  	v2 =	vld.idx.msk [tilespmem:v3+s3+$0x0], $0xffff  }
0x1a3: {  	v3 =	vadd.s32 $0x6280, v1;
	_ =	sdelay $0x3  }
0x1a4: {  	[tilespmem:s1+$0xB400] =	vst v2  }
0x1a5: {  	v2 =	vld.idx.msk [tilespmem:v3+s3+$0x0], $0xffff  }
0x1a6: {  	v3 =	vadd.s32 $0x6300, v1;
	_ =	sdelay $0x3  }
0x1a7: {  	[tilespmem:s1+$0xB480] =	vst v2  }
0x1a8: {  	v2 =	vld.idx.msk [tilespmem:v3+s3+$0x0], $0xffff  }
0x1a9: {  	v1 =	vadd.s32 $0x6380, v1;
	_ =	sdelay $0x3  }
0x1aa: {  	[tilespmem:s1+$0xB500] =	vst v2  }
0x1ab: {  	s28 =	sadd.s32 $0x10, s24;
	v1 =	vld.idx.msk [tilespmem:v1+s3+$0x0], $0xffff  }
0x1ac: {  	v2 =	vor.u32 s28, v0;
	_ =	sdelay $0x3  }
0x1ad: {  	[tilespmem:s1+$0xB580] =	vst v1  }
0x1ae: {  	v1 =	vld.idx.msk [tilespmem:v2+s5+$0x0], $0xffff;
	_ =	sdelay $0x4  }
0x1af: {  	v2 =	vshll.u32 v1, $0x3  }
0x1b0: {  	v1 =	vand.u32 $0x7F, v1;
	v2 =	vand.u32 $0xFFFFFC00, v2  }
0x1b1: {  	v1 =	vor.u32 v1, v2;
	_ =	sdelay $0x4  }
0x1b2: {  	v2 =	vld.idx.msk [tilespmem:v1+s3+$0x0], $0xffff  }
0x1b3: {  	v3 =	vor.u32 $0x80, v1  }
0x1b4: {  	s29 =	sadd.s32 $0x880, s25  }
0x1b5: {  	s30 =	sand.u32 $0x70, s28;
	s31 =	sand.u32 $0xC00, s29  }
0x1b6: {  	s1 =	sor.u32 s30, s31  }
0x1b7: {  	[tilespmem:s1+$0x8200] =	vst v2  }
0x1b8: {  	v2 =	vld.idx.msk [tilespmem:v3+s3+$0x0], $0xffff  }
0x1b9: {  	v3 =	vor.u32 $0x100, v1;
	_ =	sdelay $0x3  }
0x1ba: {  	[tilespmem:s1+$0x8280] =	vst v2  }
0x1bb: {  	v2 =	vld.idx.msk [tilespmem:v3+s3+$0x0], $0xffff  }
0x1bc: {  	v3 =	vor.u32 $0x180, v1;
	_ =	sdelay $0x3  }
0x1bd: {  	[tilespmem:s1+$0x8300] =	vst v2  }
0x1be: {  	v2 =	vld.idx.msk [tilespmem:v3+s3+$0x0], $0xffff  }
0x1bf: {  	v3 =	vor.u32 $0x200, v1;
	_ =	sdelay $0x3  }
0x1c0: {  	[tilespmem:s1+$0x8380] =	vst v2  }
0x1c1: {  	v2 =	vld.idx.msk [tilespmem:v3+s3+$0x0], $0xffff  }
0x1c2: {  	v3 =	vor.u32 $0x280, v1;
	_ =	sdelay $0x3  }
0x1c3: {  	[tilespmem:s1+$0x8400] =	vst v2  }
0x1c4: {  	v2 =	vld.idx.msk [tilespmem:v3+s3+$0x0], $0xffff  }
0x1c5: {  	v3 =	vor.u32 $0x300, v1;
	_ =	sdelay $0x3  }
0x1c6: {  	[tilespmem:s1+$0x8480] =	vst v2  }
0x1c7: {  	v2 =	vld.idx.msk [tilespmem:v3+s3+$0x0], $0xffff  }
0x1c8: {  	v3 =	vor.u32 $0x380, v1;
	_ =	sdelay $0x3  }
0x1c9: {  	[tilespmem:s1+$0x8500] =	vst v2  }
0x1ca: {  	v2 =	vld.idx.msk [tilespmem:v3+s3+$0x0], $0xffff  }
0x1cb: {  	v3 =	vadd.s32 $0x2000, v1;
	_ =	sdelay $0x1  }
0x1cc: {  	s0 =	sor.u32 s29, s0  }
0x1cd: {  	s0 =	sor.u32 $0x310, s0  }
0x1ce: {  	[tilespmem:s0+$0x8200] =	vst v2  }
0x1cf: {  	v2 =	vld.idx.msk [tilespmem:v3+s3+$0x0], $0xffff  }
0x1d0: {  	v3 =	vadd.s32 $0x2080, v1;
	_ =	sdelay $0x3  }
0x1d1: {  	[tilespmem:s1+$0x9200] =	vst v2  }
0x1d2: {  	v2 =	vld.idx.msk [tilespmem:v3+s3+$0x0], $0xffff  }
0x1d3: {  	v3 =	vadd.s32 $0x2100, v1;
	_ =	sdelay $0x3  }
0x1d4: {  	[tilespmem:s1+$0x9280] =	vst v2  }
0x1d5: {  	v2 =	vld.idx.msk [tilespmem:v3+s3+$0x0], $0xffff  }
0x1d6: {  	v3 =	vadd.s32 $0x2180, v1;
	_ =	sdelay $0x3  }
0x1d7: {  	[tilespmem:s1+$0x9300] =	vst v2  }
0x1d8: {  	v2 =	vld.idx.msk [tilespmem:v3+s3+$0x0], $0xffff  }
0x1d9: {  	v3 =	vadd.s32 $0x2200, v1;
	_ =	sdelay $0x3  }
0x1da: {  	[tilespmem:s1+$0x9380] =	vst v2  }
0x1db: {  	v2 =	vld.idx.msk [tilespmem:v3+s3+$0x0], $0xffff  }
0x1dc: {  	v3 =	vadd.s32 $0x2280, v1;
	_ =	sdelay $0x3  }
0x1dd: {  	[tilespmem:s1+$0x9400] =	vst v2  }
0x1de: {  	v2 =	vld.idx.msk [tilespmem:v3+s3+$0x0], $0xffff  }
0x1df: {  	v3 =	vadd.s32 $0x2300, v1;
	_ =	sdelay $0x3  }
0x1e0: {  	[tilespmem:s1+$0x9480] =	vst v2  }
0x1e1: {  	v2 =	vld.idx.msk [tilespmem:v3+s3+$0x0], $0xffff  }
0x1e2: {  	v3 =	vadd.s32 $0x2380, v1;
	_ =	sdelay $0x3  }
0x1e3: {  	[tilespmem:s1+$0x9500] =	vst v2  }
0x1e4: {  	v2 =	vld.idx.msk [tilespmem:v3+s3+$0x0], $0xffff  }
0x1e5: {  	v3 =	vadd.s32 $0x4000, v1;
	_ =	sdelay $0x3  }
0x1e6: {  	[tilespmem:s1+$0x9580] =	vst v2  }
0x1e7: {  	v2 =	vld.idx.msk [tilespmem:v3+s3+$0x0], $0xffff  }
0x1e8: {  	v3 =	vadd.s32 $0x4080, v1;
	_ =	sdelay $0x3  }
0x1e9: {  	[tilespmem:s1+$0xA200] =	vst v2  }
0x1ea: {  	v2 =	vld.idx.msk [tilespmem:v3+s3+$0x0], $0xffff  }
0x1eb: {  	v3 =	vadd.s32 $0x4100, v1;
	_ =	sdelay $0x3  }
0x1ec: {  	[tilespmem:s1+$0xA280] =	vst v2  }
0x1ed: {  	v2 =	vld.idx.msk [tilespmem:v3+s3+$0x0], $0xffff  }
0x1ee: {  	v3 =	vadd.s32 $0x4180, v1;
	_ =	sdelay $0x3  }
0x1ef: {  	[tilespmem:s1+$0xA300] =	vst v2  }
0x1f0: {  	v2 =	vld.idx.msk [tilespmem:v3+s3+$0x0], $0xffff  }
0x1f1: {  	v3 =	vadd.s32 $0x4200, v1;
	_ =	sdelay $0x3  }
0x1f2: {  	[tilespmem:s1+$0xA380] =	vst v2  }
0x1f3: {  	v2 =	vld.idx.msk [tilespmem:v3+s3+$0x0], $0xffff  }
0x1f4: {  	v3 =	vadd.s32 $0x4280, v1;
	_ =	sdelay $0x3  }
0x1f5: {  	[tilespmem:s1+$0xA400] =	vst v2  }
0x1f6: {  	v2 =	vld.idx.msk [tilespmem:v3+s3+$0x0], $0xffff  }
0x1f7: {  	v3 =	vadd.s32 $0x4300, v1;
	_ =	sdelay $0x3  }
0x1f8: {  	[tilespmem:s1+$0xA480] =	vst v2  }
0x1f9: {  	v2 =	vld.idx.msk [tilespmem:v3+s3+$0x0], $0xffff  }
0x1fa: {  	v3 =	vadd.s32 $0x4380, v1;
	_ =	sdelay $0x3  }
0x1fb: {  	[tilespmem:s1+$0xA500] =	vst v2  }
0x1fc: {  	v2 =	vld.idx.msk [tilespmem:v3+s3+$0x0], $0xffff  }
0x1fd: {  	v3 =	vadd.s32 $0x6000, v1;
	_ =	sdelay $0x3  }
0x1fe: {  	[tilespmem:s1+$0xA580] =	vst v2  }
0x1ff: {  	v2 =	vld.idx.msk [tilespmem:v3+s3+$0x0], $0xffff  }
0x200: {  	v3 =	vadd.s32 $0x6080, v1;
	_ =	sdelay $0x3  }
0x201: {  	[tilespmem:s1+$0xB200] =	vst v2  }
0x202: {  	v2 =	vld.idx.msk [tilespmem:v3+s3+$0x0], $0xffff  }
0x203: {  	v3 =	vadd.s32 $0x6100, v1;
	_ =	sdelay $0x3  }
0x204: {  	[tilespmem:s1+$0xB280] =	vst v2  }
0x205: {  	v2 =	vld.idx.msk [tilespmem:v3+s3+$0x0], $0xffff  }
0x206: {  	v3 =	vadd.s32 $0x6180, v1;
	_ =	sdelay $0x3  }
0x207: {  	[tilespmem:s1+$0xB300] =	vst v2  }
0x208: {  	v2 =	vld.idx.msk [tilespmem:v3+s3+$0x0], $0xffff  }
0x209: {  	v3 =	vadd.s32 $0x6200, v1;
	_ =	sdelay $0x3  }
0x20a: {  	[tilespmem:s1+$0xB380] =	vst v2  }
0x20b: {  	v2 =	vld.idx.msk [tilespmem:v3+s3+$0x0], $0xffff  }
0x20c: {  	v3 =	vadd.s32 $0x6280, v1;
	_ =	sdelay $0x3  }
0x20d: {  	[tilespmem:s1+$0xB400] =	vst v2  }
0x20e: {  	v2 =	vld.idx.msk [tilespmem:v3+s3+$0x0], $0xffff  }
0x20f: {  	v3 =	vadd.s32 $0x6300, v1;
	_ =	sdelay $0x3  }
0x210: {  	[tilespmem:s1+$0xB480] =	vst v2  }
0x211: {  	v2 =	vld.idx.msk [tilespmem:v3+s3+$0x0], $0xffff  }
0x212: {  	v1 =	vadd.s32 $0x6380, v1;
	_ =	sdelay $0x3  }
0x213: {  	[tilespmem:s1+$0xB500] =	vst v2  }
0x214: {  	p0 =	sne.s32 s24, $0x1E0;
	v1 =	vld.idx.msk [tilespmem:v1+s3+$0x0], $0xffff  }
.Ltmp1:
0x215: {  	_ = 	snop;
	(pc) =	sbr.rel @p0 .LBB2_4-.Ltmp1, $2  }
0x216: {  	_ =	sdelay $0x2  }
0x217: {  	s25 =	sadd.s32 $0x100, s25;
	s23 =	sadd.s32 $0x1, s23;
	s24 =	sadd.s32 $0x20, s24;
	[tilespmem:s1+$0xB580] =	vst v1  }
0x218: {  	s1 =	rddreg [dreg:$0x6];
	s0 =	simm.s32 $0x8A00  }
0x219: {  	[hbm4b:s1+s3] =	stream.linear.scatter [tilespmem:s0], [sflag:$0x3], $0x800, $0x38;
	[tilespmem:$0xC200] =	vst v63  }
0x21a: {  	s2 =	simm.s32 $0x9A00;
	s23 =	sadd.s32 $0x4000, s1  }
0x21b: {  	[hbm4b:s23+s3] =	stream.linear.scatter [tilespmem:s2], [sflag:$0x3], $0x800, $0x38;
	[tilespmem:$0xC200] =	vst v63  }
0x21c: {  	s25 =	simm.s32 $0xAA00;
	s24 =	sadd.s32 $0x8000, s1  }
0x21d: {  	[hbm4b:s24+s3] =	stream.linear.scatter [tilespmem:s25], [sflag:$0x3], $0x800, $0x38;
	[tilespmem:$0xC200] =	vst v63  }
0x21e: {  	s28 =	simm.s32 $0xBA00;
	s29 =	simm.s32 $0x3;
	s26 =	sadd.s32 $0xC000, s1  }
0x21f: {  	[hbm4b:s26+s3] =	stream.linear.scatter [tilespmem:s28], [sflag:$0x3], $0x800, $0x38;
	[tilespmem:$0xC200] =	vst v63  }
0x220: {  	_ =	swait.ge [sflag:s29], $0x2000  }
0x221: {  	[sflag:s29] =	ssyncset.done $0x0  }
0x222: {  	[sflag:s29] =	ssyncadd.s32 $0xFFFFE000  }
0x223: {  	_ =	swait.ge [sflag:s29], $0x2000  }
0x224: {  	s30 =	rddreg [dreg:$0x8]  }
0x225: {  	s31 =	rddreg [dreg:$0x7];
	s2 =	sadd.s32 $0x1, s30  }
0x226: {  	p0 =	sne.s32 s2, s31  }
.Ltmp2:
0x227: {  	_ = 	snop;
	(pc) =	sbr.rel @p0 .LBB2_1-.Ltmp2, $3  }
0x228: {  	_ =	sdelay $0x1  }
0x229: {  	[sflag:s29] =	ssyncset.done $0x0  }
0x22a: {  	[sflag:s29] =	ssyncadd.s32 $0xFFFFE000  }
0x22b: {  	_ =	sfence.sel $0x180000  }
0x22c: {  	[bflag:$0x0] =	sbarrier.arrive $0xFFFF  }
0x22d: {  	_ =	strace $0x90000047  }
0x22e: {  	s0 =	stileid.u32;
	[bflag:$0x2] =	sbarrier.arrive $0xFFFF  }
0x22f: {  	p0 =	sne.s32 s0, $0x0;
	s0 =	rddreg [dreg:$0x3]  }
0x230: {  	s0 =	sadd.s32 @!p0 $0x100000, s0  }
0x231: {  	[sflag:s0] =	ssyncadd.tile.s32 @!p0 $0x1;
	_ =	shalt  }
.Lfunc_end2:
_tile_overlayer_lowered:
.L_overlay_start_2:
0x232: {  	(tag) =	ssettag $0x2  }
0x233: {  	s0 =	rddreg [dreg:$0x0];
	s2 =	stileid.u32  }
0x234: {  	s1 =	rddreg [dreg:$0x1];
	p0 =	sne.s32 s2, $0x0  }
0x235: {  	s3 =	rddreg [dreg:$0x2];
	[bflag:$0x3] =	sbarrier.arrive $0xFFFF;
	s2 =	simm.s32 @!p0 $0x1C04  }
0x236: {  	[timem:s3], [sflag:s2] =	dma.local @!p0 [hbm:s0], s1  }
0x237: {  	s0 =	simm.s32 @!p0 $0x4  }
0x238: {  	_ =	swait.ge @!p0 [sflag:s0], s1  }
0x239: {  	s1 =	ssub.s32 @!p0 $0x0, s1;
	[sflag:s0] =	ssyncset.done @!p0 $0x0  }
0x23a: {  	[sflag:s0] =	ssyncadd.s32 @!p0 s1  }
0x23b: {  	[bflag:$0x3] =	sbarrier.arrive $0xFFFF  }
0x23c: {  	_ =	shalt  }

</sc_bundles>
